<compile_context>
chip_gen: v7x
topology: tpu7x:2x2x1
jax: 0.10.2.dev20260603
libtpu: 0.0.44.dev20260713+nightly
codegen_flags: <defaults>
</compile_context>

<pallas_src>
import jax
import jax.numpy as jnp
from jax import lax
from jax.experimental import pallas as pl
from jax.experimental.pallas import tpu as pltpu
from jax.experimental.pallas import tpu_sc as plsc

B = 8
N = 20000
C = 8
K = 1024
KS = 128
MAXD = 100
MAXD_PAD = 128
THR = 0.99
NMS_THR = 0.5
NEG_INF = float("-inf")
BIG = 1 << 30
L = 16
CH = 2000

_mesh = plsc.VectorSubcoreMesh(core_axis_name="core", subcore_axis_name="sub")
_sc_params = pltpu.CompilerParams(needs_layout_passes=False,
                                  use_tc_tiling_on_sc=False)


def _nms_body(cls_hbm, boxes_hbm, oscore_hbm, otk_hbm,
              sbuf, cscore, cidx, rows, x1a, y1a, x2a, y2a, areaa, acta,
              osort, tsort, sem):
    wid = lax.axis_index("sub") * 2 + lax.axis_index("core")

    @pl.loop(0, 2)
    def _(r):
        t = r * 32 + wid
        b = t // C
        c = t % C

        @pl.loop(0, K + L, step=L)
        def _(p):
            cscore[pl.ds(p, L)] = jnp.full((L,), NEG_INF, jnp.float32)
            cidx[pl.ds(p, L)] = jnp.zeros((L,), jnp.int32)

        @pl.loop(0, KS, step=L)
        def _(p):
            osort[pl.ds(p, L)] = jnp.full((L,), -1.0, jnp.float32)
            tsort[pl.ds(p, L)] = jnp.full((L,), BIG, jnp.int32)

        col = jnp.full((L,), 0, jnp.int32) + c

        def chunk_body(ch, off):
            pltpu.sync_copy(cls_hbm.at[b, pl.ds(ch * CH, CH)], sbuf)

            def g_body(g, off):
                ridx = lax.iota(jnp.int32, L) + g * L
                v = plsc.load_gather(sbuf, [ridx, col])
                m = v > THR
                base = ridx + ch * CH
                plsc.store_compressed(cscore.at[pl.ds(off, L)], v, mask=m)
                plsc.store_compressed(cidx.at[pl.ds(off, L)], base, mask=m)
                cnt = jnp.sum(m.astype(jnp.int32))
                return jnp.minimum(off + cnt, K)

            return lax.fori_loop(0, CH // L, g_body, off)

        V = lax.fori_loop(0, N // CH, chunk_body, jnp.int32(0))
        nb = (V + L - 1) // L

        nch = (V + 127) // 128

        def gth_body(k2, carry):
            pltpu.async_copy(
                boxes_hbm.at[b].at[cidx.at[pl.ds(k2 * 128, 128)]],
                rows.at[pl.ds(k2 * 128, 128)], sem).wait()
            return carry

        lax.fori_loop(0, nch, gth_body, jnp.int32(0))

        def soa_body(jb, carry):
            sl = pl.ds(jb * L, L)
            ridx = lax.iota(jnp.int32, L) + jb * L
            col0 = jnp.zeros((L,), jnp.int32)
            x1v = plsc.load_gather(rows, [ridx, col0])
            y1v = plsc.load_gather(rows, [ridx, col0 + 1])
            x2v = plsc.load_gather(rows, [ridx, col0 + 2])
            y2v = plsc.load_gather(rows, [ridx, col0 + 3])
            x1a[sl] = x1v
            y1a[sl] = y1v
            x2a[sl] = x2v
            y2a[sl] = y2v
            areaa[sl] = (x2v - x1v) * (y2v - y1v)
            acta[sl] = (cscore[sl] > THR).astype(jnp.int32)
            return carry

        lax.fori_loop(0, nb, soa_body, jnp.int32(0))

        x1a[pl.ds(K, L)] = jnp.full((L,), 2e9, jnp.float32)
        y1a[pl.ds(K, L)] = jnp.full((L,), 2e9, jnp.float32)
        x2a[pl.ds(K, L)] = jnp.full((L,), 2e9 + 1, jnp.float32)
        y2a[pl.ds(K, L)] = jnp.full((L,), 2e9 + 1, jnp.float32)
        areaa[pl.ds(K, L)] = jnp.full((L,), 1.0, jnp.float32)

        lane0 = lax.iota(jnp.int32, L) == 0

        def ext_body(carry):
            p, smax, kcnt = carry
            x1i = x1a[pl.ds(p, L)][0]
            y1i = y1a[pl.ds(p, L)][0]
            x2i = x2a[pl.ds(p, L)][0]
            y2i = y2a[pl.ds(p, L)][0]
            ar_i = areaa[pl.ds(p, L)][0]
            id_i = cidx[pl.ds(p, L)][0]
            is_pick = p < K
            okm = lane0 & is_pick & (kcnt < KS)
            slot = jnp.clip(kcnt, 0, KS - 1)
            plsc.store_scatter(osort, [jnp.full((L,), 0, jnp.int32) + slot],
                               jnp.zeros((L,), jnp.float32) + smax, mask=okm)
            plsc.store_scatter(tsort, [jnp.full((L,), 0, jnp.int32) + slot],
                               jnp.zeros((L,), jnp.int32) + c * 32768 + id_i,
                               mask=okm)

            def jb_body(jb, c2):
                bmax, bpos = c2
                sl = pl.ds(jb * L, L)
                posv = lax.iota(jnp.int32, L) + jb * L
                act = acta[sl] != 0
                xx1 = jnp.maximum(x1i, x1a[sl])
                yy1 = jnp.maximum(y1i, y1a[sl])
                xx2 = jnp.minimum(x2i, x2a[sl])
                yy2 = jnp.minimum(y2i, y2a[sl])
                w = jnp.maximum(xx2 - xx1, 0.0)
                h = jnp.maximum(yy2 - yy1, 0.0)
                inter = w * h
                union = ar_i + areaa[sl] - inter
                iou = inter / jnp.maximum(union, 1e-8)
                hit = iou > NMS_THR
                selfv = posv == p
                actn = act & ~(hit | selfv)
                acta[sl] = actn.astype(jnp.int32)
                v = jnp.where(actn, cscore[sl],
                              jnp.full((L,), NEG_INF, jnp.float32))
                upd = v > bmax
                bmax = jnp.where(upd, v, bmax)
                bpos = jnp.where(upd, posv, bpos)
                return bmax, bpos

            bmax, bpos = lax.fori_loop(
                0, nb, jb_body,
                (jnp.full((L,), NEG_INF, jnp.float32),
                 jnp.full((L,), BIG, jnp.int32)))
            smax2 = jnp.max(bmax)
            p2 = jnp.min(jnp.where(bmax == smax2, bpos,
                                   jnp.full((L,), BIG, jnp.int32)))
            p2 = jnp.minimum(p2, K)
            return p2, smax2, kcnt + is_pick.astype(jnp.int32)

        lax.while_loop(lambda cr: cr[1] > 0.0, ext_body,
                       (jnp.int32(K), jnp.float32(1.0), jnp.int32(0)))

        pltpu.sync_copy(osort, oscore_hbm.at[b, c])
        pltpu.sync_copy(tsort, otk_hbm.at[b, c])


@jax.jit
def _k1(classification, boxes):
    f = pl.kernel(
        _nms_body,
        mesh=_mesh,
        compiler_params=_sc_params,
        out_type=[
            jax.ShapeDtypeStruct((B, C, KS), jnp.float32),
            jax.ShapeDtypeStruct((B, C, KS), jnp.int32),
        ],
        scratch_types=[
            pltpu.VMEM((CH, C), jnp.float32),
            pltpu.VMEM((K + L,), jnp.float32),
            pltpu.VMEM((K + L,), jnp.int32),
            pltpu.VMEM((K, 16), jnp.float32),
            pltpu.VMEM((K + L,), jnp.float32),
            pltpu.VMEM((K + L,), jnp.float32),
            pltpu.VMEM((K + L,), jnp.float32),
            pltpu.VMEM((K + L,), jnp.float32),
            pltpu.VMEM((K + L,), jnp.float32),
            pltpu.VMEM((K + L,), jnp.int32),
            pltpu.VMEM((KS,), jnp.float32),
            pltpu.VMEM((KS,), jnp.int32),
            pltpu.SemaphoreType.DMA,
        ],
    )
    return f(classification, boxes)


def _merge_body(sc_hbm, tk_hbm, osc_hbm, otk_hbm, sbufs, tbufs, osel, otsel):
    wid = lax.axis_index("sub") * 2 + lax.axis_index("core")

    @pl.when(wid < B)
    def _():
        pltpu.sync_copy(sc_hbm.at[wid], sbufs)
        pltpu.sync_copy(tk_hbm.at[wid], tbufs)

        @pl.loop(0, MAXD_PAD, step=L)
        def _(p):
            osel[pl.ds(p, L)] = jnp.full((L,), -1.0, jnp.float32)
            otsel[pl.ds(p, L)] = jnp.full((L,), BIG, jnp.int32)

        lane = lax.iota(jnp.int32, L)
        cmask = lane < C
        lane0 = lane == 0
        row = jnp.where(cmask, lane, 0)

        def step(d, hp):
            col = jnp.where(cmask, hp, 0)
            sc_h = jnp.where(cmask, plsc.load_gather(sbufs, [row, col]),
                             jnp.float32(-2.0))
            tk_h = jnp.where(cmask, plsc.load_gather(tbufs, [row, col]),
                             jnp.int32(BIG))
            smax = jnp.max(sc_h)
            eq = sc_h == smax
            tmin = jnp.min(jnp.where(eq, tk_h, jnp.int32(BIG)))
            lbest = jnp.min(jnp.where(eq & (tk_h == tmin), lane,
                                      jnp.int32(L)))
            plsc.store_scatter(osel, [jnp.zeros((L,), jnp.int32) + d],
                               jnp.zeros((L,), jnp.float32) + smax,
                               mask=lane0)
            plsc.store_scatter(otsel, [jnp.zeros((L,), jnp.int32) + d],
                               jnp.zeros((L,), jnp.int32) + tmin,
                               mask=lane0)
            return hp + (lane == lbest).astype(jnp.int32)

        lax.fori_loop(0, MAXD, step, jnp.zeros((L,), jnp.int32))
        pltpu.sync_copy(osel, osc_hbm.at[wid])
        pltpu.sync_copy(otsel, otk_hbm.at[wid])


@jax.jit
def _merge(kept_score, kept_tk):
    f = pl.kernel(
        _merge_body,
        mesh=_mesh,
        compiler_params=_sc_params,
        out_type=[
            jax.ShapeDtypeStruct((B, MAXD_PAD), jnp.float32),
            jax.ShapeDtypeStruct((B, MAXD_PAD), jnp.int32),
        ],
        scratch_types=[
            pltpu.VMEM((C, KS), jnp.float32),
            pltpu.VMEM((C, KS), jnp.int32),
            pltpu.VMEM((MAXD_PAD,), jnp.float32),
            pltpu.VMEM((MAXD_PAD,), jnp.int32),
        ],
    )
    return f(kept_score, kept_tk)


def _gather_body(packed_hbm, idx_hbm, orow_hbm, idxv, rows16, sem):
    wid = lax.axis_index("sub") * 2 + lax.axis_index("core")

    @pl.when(wid < B)
    def _():
        pltpu.sync_copy(idx_hbm.at[wid], idxv)
        pltpu.async_copy(packed_hbm.at[wid].at[idxv], rows16, sem).wait()
        pltpu.sync_copy(rows16, orow_hbm.at[wid])


@jax.jit
def _k3(packed, sel_idx):
    f = pl.kernel(
        _gather_body,
        mesh=_mesh,
        compiler_params=_sc_params,
        out_type=jax.ShapeDtypeStruct((B, MAXD_PAD, 16), jnp.float32),
        scratch_types=[
            pltpu.VMEM((MAXD_PAD,), jnp.int32),
            pltpu.VMEM((MAXD_PAD, 16), jnp.float32),
            pltpu.SemaphoreType.DMA,
        ],
    )
    return f(packed, sel_idx)


def kernel(boxes, classification, rotation, translation):
    boxes = boxes.astype(jnp.float32)
    classification = classification.astype(jnp.float32)
    rotation = rotation.astype(jnp.float32)
    translation = translation.astype(jnp.float32)

    packed = jnp.concatenate(
        [boxes, rotation, translation,
         jnp.zeros((B, N, 6), jnp.float32)], axis=-1)

    kept_score, kept_tk = _k1(classification, packed)
    sel_sc, sel_tk = _merge(kept_score, kept_tk)
    sel_idx = sel_tk & 32767
    rows16 = _k3(packed, sel_idx)

    valid = sel_sc[:, :MAXD] > jnp.float32(0.0)
    vcol = valid[..., None]
    bx = jnp.where(vcol, rows16[:, :MAXD, 0:4], -1.0)
    rot = jnp.where(vcol, rows16[:, :MAXD, 4:7], -1.0)
    tr = jnp.where(vcol, rows16[:, :MAXD, 7:10], -1.0)
    sc = jnp.where(valid, sel_sc[:, :MAXD], -1.0)
    lab = jnp.where(valid, sel_tk[:, :MAXD] >> 15, -1).astype(jnp.int32)
    return bx, sc, lab, rot, tr

# --- scband reference (transcript-rebuilt; emitter-appended) ---
"""Pipeline reference for scband-filter-detections-79937931313581 (READ-ONLY COPY).

The authoritative reference and input builder live on the scoring server;
editing this copy changes nothing except your own understanding.
"""

import jax, jax.numpy as jnp
import numpy as np

B, N, C = 8, 20000, 8
NUM_ROT, NUM_TRANS = 3, 3
SCORE_THRESHOLD = 0.99
NMS_THRESHOLD = 0.5
MAX_DETECTIONS = 100
K_CAND = 1000  # static per-class candidate cap (>> expected ~200 boxes above threshold)


def setup_inputs(seed: int = 0):
    key = jax.random.key(seed)
    k1, k2, k3, k4 = jax.random.split(key, 4)
    u = jax.random.uniform(k1, (B, N, 4), dtype=jnp.float32)
    x1 = u[..., 0] * 500.0
    y1 = u[..., 1] * 500.0
    w = u[..., 2] * 50.0 + 1.0
    h = u[..., 3] * 50.0 + 1.0
    boxes = jnp.stack([x1, y1, x1 + w, y1 + h], axis=-1)
    classification = jax.random.uniform(k2, (B, N, C), dtype=jnp.float32)
    rotation = jax.random.normal(k3, (B, N, NUM_ROT), dtype=jnp.float32)
    translation = jax.random.normal(k4, (B, N, NUM_TRANS), dtype=jnp.float32)
    return {"boxes": boxes, "classification": classification,
            "rotation": rotation, "translation": translation}


def _iou_matrix(b):
    x1, y1, x2, y2 = b[:, 0], b[:, 1], b[:, 2], b[:, 3]
    area = (x2 - x1) * (y2 - y1)
    xx1 = jnp.maximum(x1[:, None], x1[None, :])
    yy1 = jnp.maximum(y1[:, None], y1[None, :])
    xx2 = jnp.minimum(x2[:, None], x2[None, :])
    yy2 = jnp.minimum(y2[:, None], y2[None, :])
    w = jnp.clip(xx2 - xx1, 0.0)
    h = jnp.clip(yy2 - yy1, 0.0)
    inter = w * h
    union = area[:, None] + area[None, :] - inter
    return inter / jnp.maximum(union, 1e-8)


def _nms_keep(iou, valid, thr):
    K = iou.shape[0]
    idx = jnp.arange(K)
    def body(keep, i):
        suppress = (iou[i] > thr) & (idx > i) & keep[i]
        return keep & (~suppress), None
    keep, _ = jax.lax.scan(body, valid, idx)
    return keep


def _filter_single(boxes_b, cls_b, rot_b, trans_b):
    num_classes = cls_b.shape[1]
    all_scores, all_idx, all_lab, all_keep = [], [], [], []
    for c in range(num_classes):
        sc = cls_b[:, c]
        top_sc, top_idx = jax.lax.top_k(jax.lax.stop_gradient(sc), K_CAND)
        valid = top_sc > SCORE_THRESHOLD
        cand = jax.lax.stop_gradient(boxes_b)[top_idx]
        iou = _iou_matrix(cand)
        keep = _nms_keep(iou, valid, NMS_THRESHOLD)
        all_scores.append(jnp.where(keep, top_sc, -jnp.inf))
        all_idx.append(top_idx)
        all_lab.append(jnp.full((K_CAND,), c, dtype=jnp.int32))
        all_keep.append(keep)
    scores_cat = jnp.concatenate(all_scores)
    idx_cat = jnp.concatenate(all_idx)
    lab_cat = jnp.concatenate(all_lab)
    keep_cat = jnp.concatenate(all_keep)
    sel_sc, sel_pos = jax.lax.top_k(scores_cat, MAX_DETECTIONS)
    fin_idx = idx_cat[sel_pos]
    fin_lab = lab_cat[sel_pos]
    fin_valid = keep_cat[sel_pos]
    sc_out = cls_b[fin_idx, fin_lab]
    bx_out = boxes_b[fin_idx]
    rot_out = rot_b[fin_idx]
    tr_out = trans_b[fin_idx]
    sc_out = jnp.where(fin_valid, sc_out, -1.0)
    bx_out = jnp.where(fin_valid[:, None], bx_out, -1.0)
    rot_out = jnp.where(fin_valid[:, None], rot_out, -1.0)
    tr_out = jnp.where(fin_valid[:, None], tr_out, -1.0)
    lab_out = jnp.where(fin_valid, fin_lab.astype(jnp.int64), -1)
    return bx_out, sc_out, lab_out, rot_out, tr_out


def reference(boxes, classification, rotation, translation):
    outs = [_filter_single(boxes[b], classification[b], rotation[b], translation[b])
            for b in range(boxes.shape[0])]
    bx = jnp.stack([o[0] for o in outs], axis=0)
    sc = jnp.stack([o[1] for o in outs], axis=0)
    lab = jnp.stack([o[2] for o in outs], axis=0)
    rot = jnp.stack([o[3] for o in outs], axis=0)
    tr = jnp.stack([o[4] for o in outs], axis=0)
    return (bx, sc, lab, rot, tr)

if __name__ == "__main__":
    import jax
    _d = setup_inputs()
    print(jax.jit(kernel)(*tuple(_d.values())))

</pallas_src>

<mosaic_0001>
#map = affine_map<(d0, d1) -> (0, 0, 0)>
module attributes {stable_mosaic.version = 14 : i64} {
  func.func @_nms_body(%arg0: i32, %arg1: i32, %arg2: memref<8x20000x8xf32, #tpu.memory_space<hbm>>, %arg3: memref<8x20000x16xf32, #tpu.memory_space<hbm>>, %arg4: memref<8x8x128xf32, #tpu.memory_space<hbm>>, %arg5: memref<8x8x128xi32, #tpu.memory_space<hbm>>, %arg6: memref<2000x8xf32, #tpu.memory_space<vmem>>, %arg7: memref<1040xf32, #tpu.memory_space<vmem>>, %arg8: memref<1040xi32, #tpu.memory_space<vmem>>, %arg9: memref<1024x16xf32, #tpu.memory_space<vmem>>, %arg10: memref<1040xf32, #tpu.memory_space<vmem>>, %arg11: memref<1040xf32, #tpu.memory_space<vmem>>, %arg12: memref<1040xf32, #tpu.memory_space<vmem>>, %arg13: memref<1040xf32, #tpu.memory_space<vmem>>, %arg14: memref<1040xf32, #tpu.memory_space<vmem>>, %arg15: memref<1040xi32, #tpu.memory_space<vmem>>, %arg16: memref<128xf32, #tpu.memory_space<vmem>>, %arg17: memref<128xi32, #tpu.memory_space<vmem>>, %arg18: memref<!tpu.dma_semaphore, #tpu.memory_space<semaphore_mem>>) attributes {dimension_semantics = [#tpu.dimension_semantics<core_parallel>, #tpu.dimension_semantics<subcore_parallel>], iteration_bounds = array<i64: 2, 16>, scalar_prefetch = 0 : i64, scratch_operands = 13 : i64, tpu.core_type = #tpu.core_type<sc_vector_subcore>, window_params = [{transform_indices = #map}, {transform_indices = #map}, {transform_indices = #map}, {transform_indices = #map}]} {
    %mul3A = arith.constant 2 : i32
    %mul3A_0 = arith.muli %arg1, %mul3A : i32
    %add3A = arith.addi %mul3A_0, %arg0 : i32
    %scan3A = arith.constant 0 : i32
    %scan3A_1 = arith.constant 2 : i32
    %scan3A_2 = arith.addi %scan3A, %scan3A_1 : i32
    %scan3A_3 = arith.constant 1 : i32
    scf.for %scan3A_5 = %scan3A to %scan3A_2 step %scan3A_3  : i32 {
      %mul3A_6 = arith.constant 1 : i32
      %mul3A_7 = arith.muli %scan3A_5, %mul3A_6 : i32
      %add3A_8 = arith.constant 0 : i32
      %add3A_9 = arith.addi %add3A_8, %mul3A_7 : i32
      %mul3A_10 = arith.constant 32 : i32
      %mul3A_11 = arith.muli %add3A_9, %mul3A_10 : i32
      %add3A_12 = arith.addi %mul3A_11, %add3A : i32
      %jit3A = arith.constant 8 : i32
      %div3A = arith.divsi %add3A_12, %jit3A : i32
      %sign3A = arith.constant 0 : i32
      %sign3A_13 = arith.cmpi sgt, %add3A_12, %sign3A : i32
      %sign3A_14 = arith.extui %sign3A_13 : i1 to i32
      %sign3A_15 = arith.constant 0 : i32
      %sign3A_16 = arith.cmpi slt, %add3A_12, %sign3A_15 : i32
      %sign3A_17 = arith.extui %sign3A_16 : i1 to i32
      %sign3A_18 = arith.subi %sign3A_14, %sign3A_17 : i32
      %sign3A_19 = arith.constant 0 : i32
      %sign3A_20 = arith.cmpi sgt, %jit3A, %sign3A_19 : i32
      %sign3A_21 = arith.extui %sign3A_20 : i1 to i32
      %sign3A_22 = arith.constant 0 : i32
      %sign3A_23 = arith.cmpi slt, %jit3A, %sign3A_22 : i32
      %sign3A_24 = arith.extui %sign3A_23 : i1 to i32
      %sign3A_25 = arith.subi %sign3A_21, %sign3A_24 : i32
      %ne3A = arith.cmpi ne, %sign3A_18, %sign3A_25 : i32
      %rem3A = arith.remsi %add3A_12, %jit3A : i32
      %ne3A_26 = arith.constant 0 : i32
      %ne3A_27 = arith.cmpi ne, %rem3A, %ne3A_26 : i32
      %and3A = arith.andi %ne3A, %ne3A_27 : i1
      %sub3A = arith.constant 1 : i32
      %sub3A_28 = arith.subi %div3A, %sub3A : i32
      %select_n3A = arith.select %and3A, %sub3A_28, %div3A : i32
      %jit3A_29 = arith.constant 8 : i32
      %eq3A = arith.constant 0 : i32
      %eq3A_30 = arith.cmpi eq, %jit3A_29, %eq3A : i32
      %jit3A_31 = arith.constant 1 : i32
      %select_n3A_32 = arith.select %eq3A_30, %jit3A_31, %jit3A_29 : i32
      %rem3A_33 = arith.remsi %add3A_12, %select_n3A_32 : i32
      %ne3A_34 = arith.constant 0 : i32
      %ne3A_35 = arith.cmpi ne, %rem3A_33, %ne3A_34 : i32
      %lt3A = arith.constant 0 : i32
      %lt3A_36 = arith.cmpi slt, %rem3A_33, %lt3A : i32
      %lt3A_37 = arith.constant 0 : i32
      %lt3A_38 = arith.cmpi slt, %select_n3A_32, %lt3A_37 : i32
      %ne3A_39 = arith.xori %lt3A_36, %lt3A_38 : i1
      %and3A_40 = arith.andi %ne3A_39, %ne3A_35 : i1
      %add3A_41 = arith.addi %rem3A_33, %select_n3A_32 : i32
      %select_n3A_42 = arith.select %and3A_40, %add3A_41, %rem3A_33 : i32
      %scan3A_43 = arith.constant 0 : i32
      %scan3A_44 = arith.constant 65 : i32
      %scan3A_45 = arith.addi %scan3A_43, %scan3A_44 : i32
      %scan3A_46 = arith.constant 1 : i32
      scf.for %scan3A_162 = %scan3A_43 to %scan3A_45 step %scan3A_46  : i32 {
        %mul3A_163 = arith.constant 16 : i32
        %mul3A_164 = arith.muli %scan3A_162, %mul3A_163 : i32
        %add3A_165 = arith.constant 0 : i32
        %add3A_166 = arith.addi %add3A_165, %mul3A_164 : i32
        %broadcast_in_dim3A_167 = arith.constant 0xFF800000 : f32
        %broadcast_in_dim3A_168 = vector.broadcast %broadcast_in_dim3A_167 : f32 to vector<16xf32>
        %swap3A_169 = arith.index_cast %add3A_166 : i32 to index
        %swap3A_170 = tpu.vector_load %arg7[%swap3A_169] {strides = array<i32>} : memref<1040xf32, #tpu.memory_space<vmem>>, vector<16xf32>,
        tpu.vector_store %arg7[%swap3A_169], %broadcast_in_dim3A_168 {strides = array<i32>} : memref<1040xf32, #tpu.memory_space<vmem>>, vector<16xf32>,
        %broadcast_in_dim3A_171 = arith.constant 0 : i32
        %broadcast_in_dim3A_172 = vector.broadcast %broadcast_in_dim3A_171 : i32 to vector<16xi32>
        %swap3A_173 = arith.index_cast %add3A_166 : i32 to index
        %swap3A_174 = tpu.vector_load %arg8[%swap3A_173] {strides = array<i32>} : memref<1040xi32, #tpu.memory_space<vmem>>, vector<16xi32>,
        tpu.vector_store %arg8[%swap3A_173], %broadcast_in_dim3A_172 {strides = array<i32>} : memref<1040xi32, #tpu.memory_space<vmem>>, vector<16xi32>,
      }
      %scan3A_47 = arith.constant 65 : i32
      %scan3A_48 = arith.constant 0 : i32
      %scan3A_49 = arith.constant 8 : i32
      %scan3A_50 = arith.addi %scan3A_48, %scan3A_49 : i32
      %scan3A_51 = arith.constant 1 : i32
      scf.for %scan3A_162 = %scan3A_48 to %scan3A_50 step %scan3A_51  : i32 {
        %mul3A_163 = arith.constant 16 : i32
        %mul3A_164 = arith.muli %scan3A_162, %mul3A_163 : i32
        %add3A_165 = arith.constant 0 : i32
        %add3A_166 = arith.addi %add3A_165, %mul3A_164 : i32
        %broadcast_in_dim3A_167 = arith.constant -1.000000e+00 : f32
        %broadcast_in_dim3A_168 = vector.broadcast %broadcast_in_dim3A_167 : f32 to vector<16xf32>
        %swap3A_169 = arith.index_cast %add3A_166 : i32 to index
        %swap3A_170 = tpu.vector_load %arg16[%swap3A_169] {strides = array<i32>} : memref<128xf32, #tpu.memory_space<vmem>>, vector<16xf32>,
        tpu.vector_store %arg16[%swap3A_169], %broadcast_in_dim3A_168 {strides = array<i32>} : memref<128xf32, #tpu.memory_space<vmem>>, vector<16xf32>,
        %broadcast_in_dim3A_171 = arith.constant 1073741824 : i32
        %broadcast_in_dim3A_172 = vector.broadcast %broadcast_in_dim3A_171 : i32 to vector<16xi32>
        %swap3A_173 = arith.index_cast %add3A_166 : i32 to index
        %swap3A_174 = tpu.vector_load %arg17[%swap3A_173] {strides = array<i32>} : memref<128xi32, #tpu.memory_space<vmem>>, vector<16xi32>,
        tpu.vector_store %arg17[%swap3A_173], %broadcast_in_dim3A_172 {strides = array<i32>} : memref<128xi32, #tpu.memory_space<vmem>>, vector<16xi32>,
      }
      %scan3A_52 = arith.constant 8 : i32
      %broadcast_in_dim3A = arith.constant 0 : i32
      %broadcast_in_dim3A_53 = vector.broadcast %broadcast_in_dim3A : i32 to vector<16xi32>
      %add3A_54 = vector.broadcast %select_n3A_42 : i32 to vector<16xi32>
      %add3A_55 = arith.addi %broadcast_in_dim3A_53, %add3A_54 : vector<16xi32>
      %scan3A_56 = arith.constant 0 : i32
      %scan3A_57 = arith.constant 0 : i32
      %scan3A_58 = arith.constant 10 : i32
      %scan3A_59 = arith.addi %scan3A_57, %scan3A_58 : i32
      %scan3A_60 = arith.constant 1 : i32
      %scan3A_61 = scf.for %scan3A_162 = %scan3A_57 to %scan3A_59 step %scan3A_60 iter_args(%scan3A_163 = %scan3A_56) -> (i32)  : i32 {
        %mul3A_164 = arith.constant 2000 : i32
        %mul3A_165 = arith.muli %scan3A_162, %mul3A_164 : i32
        "tpu.region"() ({
          %run_scoped3A = tpu.sem_alloc : memref<!tpu.dma_semaphore, #tpu.memory_space<semaphore_mem>>
          %dma_start3A = arith.constant 0 : i32
          %dma_start3A_172 = tpu.memref_slice %arg2[%select_n3A, %mul3A_165, %dma_start3A] : memref<8x20000x8xf32, #tpu.memory_space<hbm>> -> memref<1x2000x8xf32, #tpu.memory_space<hbm>>
          %dma_start3A_173 = tpu.memref_squeeze %dma_start3A_172 : memref<1x2000x8xf32, #tpu.memory_space<hbm>> -> memref<2000x8xf32, #tpu.memory_space<hbm>>
          %dma_start3A_174 = arith.constant 0 : i32
          %dma_start3A_175 = tpu.memref_slice %arg2[%select_n3A, %mul3A_165, %dma_start3A_174] : memref<8x20000x8xf32, #tpu.memory_space<hbm>> -> memref<1x2000x8xf32, #tpu.memory_space<hbm>>
          %dma_start3A_176 = tpu.memref_squeeze %dma_start3A_175 : memref<1x2000x8xf32, #tpu.memory_space<hbm>> -> memref<2000x8xf32, #tpu.memory_space<hbm>>
          tpu.enqueue_dma source(%dma_start3A_176 : memref<2000x8xf32, #tpu.memory_space<hbm>>) target(%arg6 : memref<2000x8xf32, #tpu.memory_space<vmem>>) target_semaphore(%run_scoped3A : memref<!tpu.dma_semaphore, #tpu.memory_space<semaphore_mem>>)
          %dma_wait3A = arith.constant 0 : i32
          %dma_wait3A_177 = tpu.memref_slice %arg2[%select_n3A, %mul3A_165, %dma_wait3A] : memref<8x20000x8xf32, #tpu.memory_space<hbm>> -> memref<1x2000x8xf32, #tpu.memory_space<hbm>>
          %dma_wait3A_178 = tpu.memref_squeeze %dma_wait3A_177 : memref<1x2000x8xf32, #tpu.memory_space<hbm>> -> memref<2000x8xf32, #tpu.memory_space<hbm>>
          %dma_wait3A_179 = arith.constant 0 : i32
          %dma_wait3A_180 = tpu.memref_slice %arg2[%select_n3A, %mul3A_165, %dma_wait3A_179] : memref<8x20000x8xf32, #tpu.memory_space<hbm>> -> memref<1x2000x8xf32, #tpu.memory_space<hbm>>
          %dma_wait3A_181 = tpu.memref_squeeze %dma_wait3A_180 : memref<1x2000x8xf32, #tpu.memory_space<hbm>> -> memref<2000x8xf32, #tpu.memory_space<hbm>>
          tpu.wait_dma2 semaphore(%run_scoped3A : memref<!tpu.dma_semaphore, #tpu.memory_space<semaphore_mem>>) src(%dma_wait3A_181 : memref<2000x8xf32, #tpu.memory_space<hbm>>) dst(%arg6 : memref<2000x8xf32, #tpu.memory_space<vmem>>)
          tpu.yield
        }) : () -> ()
        %scan3A_166 = arith.constant 0 : i32
        %scan3A_167 = arith.constant 125 : i32
        %scan3A_168 = arith.addi %scan3A_166, %scan3A_167 : i32
        %scan3A_169 = arith.constant 1 : i32
        %scan3A_170 = scf.for %scan3A_172 = %scan3A_166 to %scan3A_168 step %scan3A_169 iter_args(%scan3A_173 = %scan3A_163) -> (i32)  : i32 {
          %iota3A_174 = tpu.iota {dimensions = array<i32: 0>} : vector<16xi32>
          %mul3A_175 = arith.constant 16 : i32
          %mul3A_176 = arith.muli %scan3A_172, %mul3A_175 : i32
          %add3A_177 = vector.broadcast %mul3A_176 : i32 to vector<16xi32>
          %add3A_178 = arith.addi %iota3A_174, %add3A_177 : vector<16xi32>
          %gather3A = tpu.vector_load_idx %arg6[%add3A_178, %add3A_55] : memref<2000x8xf32, #tpu.memory_space<vmem>>[vector<16xi32>, vector<16xi32>], vector<16xf32>,
          %gt3A = arith.constant 9.900000e-01 : f32
          %gt3A_179 = vector.broadcast %gt3A : f32 to vector<16xf32>
          %gt3A_180 = arith.cmpf ogt, %gather3A, %gt3A_179 : vector<16xf32>
          %mul3A_181 = arith.constant 2000 : i32
          %mul3A_182 = arith.muli %scan3A_162, %mul3A_181 : i32
          %add3A_183 = vector.broadcast %mul3A_182 : i32 to vector<16xi32>
          %add3A_184 = arith.addi %add3A_178, %add3A_183 : vector<16xi32>
          %swap3A_185 = arith.index_cast %scan3A_173 : i32 to index
          %swap3A_186 = tpu.vector_load %arg7[%swap3A_185] masked %gt3A_180 {strides = array<i32>} : memref<1040xf32, #tpu.memory_space<vmem>>, vector<16xf32>, vector<16xi1>
          tpu.vector_store %arg7[%swap3A_185], %gather3A masked %gt3A_180 {strides = array<i32>} : memref<1040xf32, #tpu.memory_space<vmem>>, vector<16xf32>, vector<16xi1>
          %swap3A_187 = arith.index_cast %scan3A_173 : i32 to index
          %swap3A_188 = tpu.vector_load %arg8[%swap3A_187] masked %gt3A_180 {strides = array<i32>} : memref<1040xi32, #tpu.memory_space<vmem>>, vector<16xi32>, vector<16xi1>
          tpu.vector_store %arg8[%swap3A_187], %add3A_184 masked %gt3A_180 {strides = array<i32>} : memref<1040xi32, #tpu.memory_space<vmem>>, vector<16xi32>, vector<16xi1>
          %convert_element_type3A = arith.extui %gt3A_180 : vector<16xi1> to vector<16xi32>
          %reduce_sum3A = arith.constant true
          %reduce_sum3A_189 = vector.broadcast %reduce_sum3A : i1 to vector<16xi1>
          %reduce_sum3A_190 = tpu.scan <sum>, %convert_element_type3A masked %reduce_sum3A_189 : vector<16xi32>, vector<16xi1> -> vector<16xi32>
          %reduce_sum3A_191 = vector.extract %reduce_sum3A_190[15] : i32 from vector<16xi32>
          %add3A_192 = arith.addi %scan3A_173, %reduce_sum3A_191 : i32
          %min3A = arith.constant 1024 : i32
          %min3A_193 = arith.minsi %add3A_192, %min3A : i32
          scf.yield %min3A_193 : i32
        }
        %scan3A_171 = arith.constant 125 : i32
        scf.yield %scan3A_170 : i32
      }
      %scan3A_62 = arith.constant 10 : i32
      %add3A_63 = arith.constant 16 : i32
      %add3A_64 = arith.addi %scan3A_61, %add3A_63 : i32
      %sub3A_65 = arith.constant 1 : i32
      %sub3A_66 = arith.subi %add3A_64, %sub3A_65 : i32
      %jit3A_67 = arith.constant 16 : i32
      %div3A_68 = arith.divsi %sub3A_66, %jit3A_67 : i32
      %sign3A_69 = arith.constant 0 : i32
      %sign3A_70 = arith.cmpi sgt, %sub3A_66, %sign3A_69 : i32
      %sign3A_71 = arith.extui %sign3A_70 : i1 to i32
      %sign3A_72 = arith.constant 0 : i32
      %sign3A_73 = arith.cmpi slt, %sub3A_66, %sign3A_72 : i32
      %sign3A_74 = arith.extui %sign3A_73 : i1 to i32
      %sign3A_75 = arith.subi %sign3A_71, %sign3A_74 : i32
      %sign3A_76 = arith.constant 0 : i32
      %sign3A_77 = arith.cmpi sgt, %jit3A_67, %sign3A_76 : i32
      %sign3A_78 = arith.extui %sign3A_77 : i1 to i32
      %sign3A_79 = arith.constant 0 : i32
      %sign3A_80 = arith.cmpi slt, %jit3A_67, %sign3A_79 : i32
      %sign3A_81 = arith.extui %sign3A_80 : i1 to i32
      %sign3A_82 = arith.subi %sign3A_78, %sign3A_81 : i32
      %ne3A_83 = arith.cmpi ne, %sign3A_75, %sign3A_82 : i32
      %rem3A_84 = arith.remsi %sub3A_66, %jit3A_67 : i32
      %ne3A_85 = arith.constant 0 : i32
      %ne3A_86 = arith.cmpi ne, %rem3A_84, %ne3A_85 : i32
      %and3A_87 = arith.andi %ne3A_83, %ne3A_86 : i1
      %sub3A_88 = arith.constant 1 : i32
      %sub3A_89 = arith.subi %div3A_68, %sub3A_88 : i32
      %select_n3A_90 = arith.select %and3A_87, %sub3A_89, %div3A_68 : i32
      %add3A_91 = arith.constant 127 : i32
      %add3A_92 = arith.addi %scan3A_61, %add3A_91 : i32
      %jit3A_93 = arith.constant 128 : i32
      %div3A_94 = arith.divsi %add3A_92, %jit3A_93 : i32
      %sign3A_95 = arith.constant 0 : i32
      %sign3A_96 = arith.cmpi sgt, %add3A_92, %sign3A_95 : i32
      %sign3A_97 = arith.extui %sign3A_96 : i1 to i32
      %sign3A_98 = arith.constant 0 : i32
      %sign3A_99 = arith.cmpi slt, %add3A_92, %sign3A_98 : i32
      %sign3A_100 = arith.extui %sign3A_99 : i1 to i32
      %sign3A_101 = arith.subi %sign3A_97, %sign3A_100 : i32
      %sign3A_102 = arith.constant 0 : i32
      %sign3A_103 = arith.cmpi sgt, %jit3A_93, %sign3A_102 : i32
      %sign3A_104 = arith.extui %sign3A_103 : i1 to i32
      %sign3A_105 = arith.constant 0 : i32
      %sign3A_106 = arith.cmpi slt, %jit3A_93, %sign3A_105 : i32
      %sign3A_107 = arith.extui %sign3A_106 : i1 to i32
      %sign3A_108 = arith.subi %sign3A_104, %sign3A_107 : i32
      %ne3A_109 = arith.cmpi ne, %sign3A_101, %sign3A_108 : i32
      %rem3A_110 = arith.remsi %add3A_92, %jit3A_93 : i32
      %ne3A_111 = arith.constant 0 : i32
      %ne3A_112 = arith.cmpi ne, %rem3A_110, %ne3A_111 : i32
      %and3A_113 = arith.andi %ne3A_109, %ne3A_112 : i1
      %sub3A_114 = arith.constant 1 : i32
      %sub3A_115 = arith.subi %div3A_94, %sub3A_114 : i32
      %select_n3A_116 = arith.select %and3A_113, %sub3A_115, %div3A_94 : i32
      %while3A = arith.constant 0 : i32
      %while3A_117 = arith.constant 0 : i32
      %while3A_118 = arith.subi %select_n3A_116, %while3A_117 : i32
      %while3A_119 = arith.addi %while3A_117, %while3A_118 : i32
      %while3A_120 = arith.constant 1 : i32
      %while3A_121 = arith.divsi %while3A_118, %while3A_120 : i32
      %while3A_122 = arith.muli %while3A_121, %while3A_120 : i32
      %while3A_123 = arith.addi %while3A_117, %while3A_122 : i32
      %while3A_124 = arith.constant 1 : i32
      scf.for %while3A_162 = %while3A_117 to %while3A_123 step %while3A_124  : i32 {
        %mul3A_163 = arith.constant 128 : i32
        %mul3A_164 = arith.muli %while3A_162, %mul3A_163 : i32
        %mul3A_165 = arith.constant 128 : i32
        %mul3A_166 = arith.muli %while3A_162, %mul3A_165 : i32
        %dma_start3A = arith.constant 0 : i32
        %dma_start3A_167 = tpu.memref_slice %arg9[%mul3A_166, %dma_start3A] : memref<1024x16xf32, #tpu.memory_space<vmem>> -> memref<128x16xf32, #tpu.memory_space<vmem>>
        %dma_start3A_168 = tpu.memref_slice %arg8[%mul3A_164] : memref<1040xi32, #tpu.memory_space<vmem>> -> memref<128xi32, #tpu.memory_space<vmem>>
        %dma_start3A_169 = arith.constant 0 : i32
        %dma_start3A_170 = arith.constant 0 : i32
        %dma_start3A_171 = tpu.memref_slice %arg3[%select_n3A, %dma_start3A_169, %dma_start3A_170] : memref<8x20000x16xf32, #tpu.memory_space<hbm>> -> memref<1x20000x16xf32, #tpu.memory_space<hbm>>
        %dma_start3A_172 = tpu.memref_squeeze %dma_start3A_171 : memref<1x20000x16xf32, #tpu.memory_space<hbm>> -> memref<20000x16xf32, #tpu.memory_space<hbm>>
        %dma_start3A_173 = arith.constant 0 : i32
        %dma_start3A_174 = arith.constant 0 : i32
        %dma_start3A_175 = tpu.memref_slice %dma_start3A_172[%dma_start3A_173, %dma_start3A_174] : memref<20000x16xf32, #tpu.memory_space<hbm>> -> memref<20000x16xf32, #tpu.memory_space<hbm>>
        tpu.enqueue_indirect_dma source(%dma_start3A_175 : memref<20000x16xf32, #tpu.memory_space<hbm>>) target(%dma_start3A_167 : memref<128x16xf32, #tpu.memory_space<vmem>>) offsets(%dma_start3A_168 : memref<128xi32, #tpu.memory_space<vmem>>) semaphore(%arg18 : memref<!tpu.dma_semaphore, #tpu.memory_space<semaphore_mem>>)
        %dma_wait3A = arith.constant 0 : i32
        %dma_wait3A_176 = tpu.memref_slice %arg9[%mul3A_166, %dma_wait3A] : memref<1024x16xf32, #tpu.memory_space<vmem>> -> memref<128x16xf32, #tpu.memory_space<vmem>>
        %dma_wait3A_177 = tpu.memref_slice %arg8[%mul3A_164] : memref<1040xi32, #tpu.memory_space<vmem>> -> memref<128xi32, #tpu.memory_space<vmem>>
        %dma_wait3A_178 = arith.constant 0 : i32
        %dma_wait3A_179 = arith.constant 0 : i32
        %dma_wait3A_180 = tpu.memref_slice %arg3[%select_n3A, %dma_wait3A_178, %dma_wait3A_179] : memref<8x20000x16xf32, #tpu.memory_space<hbm>> -> memref<1x20000x16xf32, #tpu.memory_space<hbm>>
        %dma_wait3A_181 = tpu.memref_squeeze %dma_wait3A_180 : memref<1x20000x16xf32, #tpu.memory_space<hbm>> -> memref<20000x16xf32, #tpu.memory_space<hbm>>
        %dma_wait3A_182 = arith.constant 0 : i32
        %dma_wait3A_183 = arith.constant 0 : i32
        %dma_wait3A_184 = tpu.memref_slice %dma_wait3A_181[%dma_wait3A_182, %dma_wait3A_183] : memref<20000x16xf32, #tpu.memory_space<hbm>> -> memref<20000x16xf32, #tpu.memory_space<hbm>>
        tpu.wait_indirect_dma semaphore(%arg18 : memref<!tpu.dma_semaphore, #tpu.memory_space<semaphore_mem>>) src(%dma_wait3A_184 : memref<20000x16xf32, #tpu.memory_space<hbm>>) dst(%dma_wait3A_176 : memref<128x16xf32, #tpu.memory_space<vmem>>)
      }
      %while3A_125 = arith.constant 1 : i32
      scf.for %while3A_162 = %while3A_123 to %while3A_119 step %while3A_125  : i32 {
        %mul3A_163 = arith.constant 128 : i32
        %mul3A_164 = arith.muli %while3A_162, %mul3A_163 : i32
        %mul3A_165 = arith.constant 128 : i32
        %mul3A_166 = arith.muli %while3A_162, %mul3A_165 : i32
        %dma_start3A = arith.constant 0 : i32
        %dma_start3A_167 = tpu.memref_slice %arg9[%mul3A_166, %dma_start3A] : memref<1024x16xf32, #tpu.memory_space<vmem>> -> memref<128x16xf32, #tpu.memory_space<vmem>>
        %dma_start3A_168 = tpu.memref_slice %arg8[%mul3A_164] : memref<1040xi32, #tpu.memory_space<vmem>> -> memref<128xi32, #tpu.memory_space<vmem>>
        %dma_start3A_169 = arith.constant 0 : i32
        %dma_start3A_170 = arith.constant 0 : i32
        %dma_start3A_171 = tpu.memref_slice %arg3[%select_n3A, %dma_start3A_169, %dma_start3A_170] : memref<8x20000x16xf32, #tpu.memory_space<hbm>> -> memref<1x20000x16xf32, #tpu.memory_space<hbm>>
        %dma_start3A_172 = tpu.memref_squeeze %dma_start3A_171 : memref<1x20000x16xf32, #tpu.memory_space<hbm>> -> memref<20000x16xf32, #tpu.memory_space<hbm>>
        %dma_start3A_173 = arith.constant 0 : i32
        %dma_start3A_174 = arith.constant 0 : i32
        %dma_start3A_175 = tpu.memref_slice %dma_start3A_172[%dma_start3A_173, %dma_start3A_174] : memref<20000x16xf32, #tpu.memory_space<hbm>> -> memref<20000x16xf32, #tpu.memory_space<hbm>>
        tpu.enqueue_indirect_dma source(%dma_start3A_175 : memref<20000x16xf32, #tpu.memory_space<hbm>>) target(%dma_start3A_167 : memref<128x16xf32, #tpu.memory_space<vmem>>) offsets(%dma_start3A_168 : memref<128xi32, #tpu.memory_space<vmem>>) semaphore(%arg18 : memref<!tpu.dma_semaphore, #tpu.memory_space<semaphore_mem>>)
        %dma_wait3A = arith.constant 0 : i32
        %dma_wait3A_176 = tpu.memref_slice %arg9[%mul3A_166, %dma_wait3A] : memref<1024x16xf32, #tpu.memory_space<vmem>> -> memref<128x16xf32, #tpu.memory_space<vmem>>
        %dma_wait3A_177 = tpu.memref_slice %arg8[%mul3A_164] : memref<1040xi32, #tpu.memory_space<vmem>> -> memref<128xi32, #tpu.memory_space<vmem>>
        %dma_wait3A_178 = arith.constant 0 : i32
        %dma_wait3A_179 = arith.constant 0 : i32
        %dma_wait3A_180 = tpu.memref_slice %arg3[%select_n3A, %dma_wait3A_178, %dma_wait3A_179] : memref<8x20000x16xf32, #tpu.memory_space<hbm>> -> memref<1x20000x16xf32, #tpu.memory_space<hbm>>
        %dma_wait3A_181 = tpu.memref_squeeze %dma_wait3A_180 : memref<1x20000x16xf32, #tpu.memory_space<hbm>> -> memref<20000x16xf32, #tpu.memory_space<hbm>>
        %dma_wait3A_182 = arith.constant 0 : i32
        %dma_wait3A_183 = arith.constant 0 : i32
        %dma_wait3A_184 = tpu.memref_slice %dma_wait3A_181[%dma_wait3A_182, %dma_wait3A_183] : memref<20000x16xf32, #tpu.memory_space<hbm>> -> memref<20000x16xf32, #tpu.memory_space<hbm>>
        tpu.wait_indirect_dma semaphore(%arg18 : memref<!tpu.dma_semaphore, #tpu.memory_space<semaphore_mem>>) src(%dma_wait3A_184 : memref<20000x16xf32, #tpu.memory_space<hbm>>) dst(%dma_wait3A_176 : memref<128x16xf32, #tpu.memory_space<vmem>>)
      }
      %while3A_126 = arith.constant 0 : i32
      %while3A_127 = arith.constant 0 : i32
      %while3A_128 = arith.subi %select_n3A_90, %while3A_127 : i32
      %while3A_129 = arith.addi %while3A_127, %while3A_128 : i32
      %while3A_130 = arith.constant 1 : i32
      %while3A_131 = arith.divsi %while3A_128, %while3A_130 : i32
      %while3A_132 = arith.muli %while3A_131, %while3A_130 : i32
      %while3A_133 = arith.addi %while3A_127, %while3A_132 : i32
      %while3A_134 = arith.constant 1 : i32
      scf.for %while3A_162 = %while3A_127 to %while3A_133 step %while3A_134  : i32 {
        %mul3A_163 = arith.constant 16 : i32
        %mul3A_164 = arith.muli %while3A_162, %mul3A_163 : i32
        %iota3A_165 = tpu.iota {dimensions = array<i32: 0>} : vector<16xi32>
        %mul3A_166 = arith.constant 16 : i32
        %mul3A_167 = arith.muli %while3A_162, %mul3A_166 : i32
        %add3A_168 = vector.broadcast %mul3A_167 : i32 to vector<16xi32>
        %add3A_169 = arith.addi %iota3A_165, %add3A_168 : vector<16xi32>
        %broadcast_in_dim3A_170 = arith.constant 0 : i32
        %broadcast_in_dim3A_171 = vector.broadcast %broadcast_in_dim3A_170 : i32 to vector<16xi32>
        %gather3A = tpu.vector_load_idx %arg9[%add3A_169, %broadcast_in_dim3A_171] : memref<1024x16xf32, #tpu.memory_space<vmem>>[vector<16xi32>, vector<16xi32>], vector<16xf32>,
        %add3A_172 = arith.constant 1 : i32
        %add3A_173 = vector.broadcast %add3A_172 : i32 to vector<16xi32>
        %add3A_174 = arith.addi %broadcast_in_dim3A_171, %add3A_173 : vector<16xi32>
        %gather3A_175 = tpu.vector_load_idx %arg9[%add3A_169, %add3A_174] : memref<1024x16xf32, #tpu.memory_space<vmem>>[vector<16xi32>, vector<16xi32>], vector<16xf32>,
        %add3A_176 = arith.constant 2 : i32
        %add3A_177 = vector.broadcast %add3A_176 : i32 to vector<16xi32>
        %add3A_178 = arith.addi %broadcast_in_dim3A_171, %add3A_177 : vector<16xi32>
        %gather3A_179 = tpu.vector_load_idx %arg9[%add3A_169, %add3A_178] : memref<1024x16xf32, #tpu.memory_space<vmem>>[vector<16xi32>, vector<16xi32>], vector<16xf32>,
        %add3A_180 = arith.constant 3 : i32
        %add3A_181 = vector.broadcast %add3A_180 : i32 to vector<16xi32>
        %add3A_182 = arith.addi %broadcast_in_dim3A_171, %add3A_181 : vector<16xi32>
        %gather3A_183 = tpu.vector_load_idx %arg9[%add3A_169, %add3A_182] : memref<1024x16xf32, #tpu.memory_space<vmem>>[vector<16xi32>, vector<16xi32>], vector<16xf32>,
        %swap3A_184 = arith.index_cast %mul3A_164 : i32 to index
        %swap3A_185 = tpu.vector_load %arg10[%swap3A_184] {strides = array<i32>} : memref<1040xf32, #tpu.memory_space<vmem>>, vector<16xf32>,
        tpu.vector_store %arg10[%swap3A_184], %gather3A {strides = array<i32>} : memref<1040xf32, #tpu.memory_space<vmem>>, vector<16xf32>,
        %swap3A_186 = arith.index_cast %mul3A_164 : i32 to index
        %swap3A_187 = tpu.vector_load %arg11[%swap3A_186] {strides = array<i32>} : memref<1040xf32, #tpu.memory_space<vmem>>, vector<16xf32>,
        tpu.vector_store %arg11[%swap3A_186], %gather3A_175 {strides = array<i32>} : memref<1040xf32, #tpu.memory_space<vmem>>, vector<16xf32>,
        %swap3A_188 = arith.index_cast %mul3A_164 : i32 to index
        %swap3A_189 = tpu.vector_load %arg12[%swap3A_188] {strides = array<i32>} : memref<1040xf32, #tpu.memory_space<vmem>>, vector<16xf32>,
        tpu.vector_store %arg12[%swap3A_188], %gather3A_179 {strides = array<i32>} : memref<1040xf32, #tpu.memory_space<vmem>>, vector<16xf32>,
        %swap3A_190 = arith.index_cast %mul3A_164 : i32 to index
        %swap3A_191 = tpu.vector_load %arg13[%swap3A_190] {strides = array<i32>} : memref<1040xf32, #tpu.memory_space<vmem>>, vector<16xf32>,
        tpu.vector_store %arg13[%swap3A_190], %gather3A_183 {strides = array<i32>} : memref<1040xf32, #tpu.memory_space<vmem>>, vector<16xf32>,
        %sub3A_192 = arith.subf %gather3A_179, %gather3A : vector<16xf32>
        %sub3A_193 = arith.subf %gather3A_183, %gather3A_175 : vector<16xf32>
        %mul3A_194 = arith.mulf %sub3A_192, %sub3A_193 : vector<16xf32>
        %swap3A_195 = arith.index_cast %mul3A_164 : i32 to index
        %swap3A_196 = tpu.vector_load %arg14[%swap3A_195] {strides = array<i32>} : memref<1040xf32, #tpu.memory_space<vmem>>, vector<16xf32>,
        tpu.vector_store %arg14[%swap3A_195], %mul3A_194 {strides = array<i32>} : memref<1040xf32, #tpu.memory_space<vmem>>, vector<16xf32>,
        %get3A = arith.index_cast %mul3A_164 : i32 to index
        %get3A_197 = tpu.vector_load %arg7[%get3A] {strides = array<i32>} : memref<1040xf32, #tpu.memory_space<vmem>>, vector<16xf32>,
        %gt3A = arith.constant 9.900000e-01 : f32
        %gt3A_198 = vector.broadcast %gt3A : f32 to vector<16xf32>
        %gt3A_199 = arith.cmpf ogt, %get3A_197, %gt3A_198 : vector<16xf32>
        %convert_element_type3A = arith.extui %gt3A_199 : vector<16xi1> to vector<16xi32>
        %swap3A_200 = arith.index_cast %mul3A_164 : i32 to index
        %swap3A_201 = tpu.vector_load %arg15[%swap3A_200] {strides = array<i32>} : memref<1040xi32, #tpu.memory_space<vmem>>, vector<16xi32>,
        tpu.vector_store %arg15[%swap3A_200], %convert_element_type3A {strides = array<i32>} : memref<1040xi32, #tpu.memory_space<vmem>>, vector<16xi32>,
      }
      %while3A_135 = arith.constant 1 : i32
      scf.for %while3A_162 = %while3A_133 to %while3A_129 step %while3A_135  : i32 {
        %mul3A_163 = arith.constant 16 : i32
        %mul3A_164 = arith.muli %while3A_162, %mul3A_163 : i32
        %iota3A_165 = tpu.iota {dimensions = array<i32: 0>} : vector<16xi32>
        %mul3A_166 = arith.constant 16 : i32
        %mul3A_167 = arith.muli %while3A_162, %mul3A_166 : i32
        %add3A_168 = vector.broadcast %mul3A_167 : i32 to vector<16xi32>
        %add3A_169 = arith.addi %iota3A_165, %add3A_168 : vector<16xi32>
        %broadcast_in_dim3A_170 = arith.constant 0 : i32
        %broadcast_in_dim3A_171 = vector.broadcast %broadcast_in_dim3A_170 : i32 to vector<16xi32>
        %gather3A = tpu.vector_load_idx %arg9[%add3A_169, %broadcast_in_dim3A_171] : memref<1024x16xf32, #tpu.memory_space<vmem>>[vector<16xi32>, vector<16xi32>], vector<16xf32>,
        %add3A_172 = arith.constant 1 : i32
        %add3A_173 = vector.broadcast %add3A_172 : i32 to vector<16xi32>
        %add3A_174 = arith.addi %broadcast_in_dim3A_171, %add3A_173 : vector<16xi32>
        %gather3A_175 = tpu.vector_load_idx %arg9[%add3A_169, %add3A_174] : memref<1024x16xf32, #tpu.memory_space<vmem>>[vector<16xi32>, vector<16xi32>], vector<16xf32>,
        %add3A_176 = arith.constant 2 : i32
        %add3A_177 = vector.broadcast %add3A_176 : i32 to vector<16xi32>
        %add3A_178 = arith.addi %broadcast_in_dim3A_171, %add3A_177 : vector<16xi32>
        %gather3A_179 = tpu.vector_load_idx %arg9[%add3A_169, %add3A_178] : memref<1024x16xf32, #tpu.memory_space<vmem>>[vector<16xi32>, vector<16xi32>], vector<16xf32>,
        %add3A_180 = arith.constant 3 : i32
        %add3A_181 = vector.broadcast %add3A_180 : i32 to vector<16xi32>
        %add3A_182 = arith.addi %broadcast_in_dim3A_171, %add3A_181 : vector<16xi32>
        %gather3A_183 = tpu.vector_load_idx %arg9[%add3A_169, %add3A_182] : memref<1024x16xf32, #tpu.memory_space<vmem>>[vector<16xi32>, vector<16xi32>], vector<16xf32>,
        %swap3A_184 = arith.index_cast %mul3A_164 : i32 to index
        %swap3A_185 = tpu.vector_load %arg10[%swap3A_184] {strides = array<i32>} : memref<1040xf32, #tpu.memory_space<vmem>>, vector<16xf32>,
        tpu.vector_store %arg10[%swap3A_184], %gather3A {strides = array<i32>} : memref<1040xf32, #tpu.memory_space<vmem>>, vector<16xf32>,
        %swap3A_186 = arith.index_cast %mul3A_164 : i32 to index
        %swap3A_187 = tpu.vector_load %arg11[%swap3A_186] {strides = array<i32>} : memref<1040xf32, #tpu.memory_space<vmem>>, vector<16xf32>,
        tpu.vector_store %arg11[%swap3A_186], %gather3A_175 {strides = array<i32>} : memref<1040xf32, #tpu.memory_space<vmem>>, vector<16xf32>,
        %swap3A_188 = arith.index_cast %mul3A_164 : i32 to index
        %swap3A_189 = tpu.vector_load %arg12[%swap3A_188] {strides = array<i32>} : memref<1040xf32, #tpu.memory_space<vmem>>, vector<16xf32>,
        tpu.vector_store %arg12[%swap3A_188], %gather3A_179 {strides = array<i32>} : memref<1040xf32, #tpu.memory_space<vmem>>, vector<16xf32>,
        %swap3A_190 = arith.index_cast %mul3A_164 : i32 to index
        %swap3A_191 = tpu.vector_load %arg13[%swap3A_190] {strides = array<i32>} : memref<1040xf32, #tpu.memory_space<vmem>>, vector<16xf32>,
        tpu.vector_store %arg13[%swap3A_190], %gather3A_183 {strides = array<i32>} : memref<1040xf32, #tpu.memory_space<vmem>>, vector<16xf32>,
        %sub3A_192 = arith.subf %gather3A_179, %gather3A : vector<16xf32>
        %sub3A_193 = arith.subf %gather3A_183, %gather3A_175 : vector<16xf32>
        %mul3A_194 = arith.mulf %sub3A_192, %sub3A_193 : vector<16xf32>
        %swap3A_195 = arith.index_cast %mul3A_164 : i32 to index
        %swap3A_196 = tpu.vector_load %arg14[%swap3A_195] {strides = array<i32>} : memref<1040xf32, #tpu.memory_space<vmem>>, vector<16xf32>,
        tpu.vector_store %arg14[%swap3A_195], %mul3A_194 {strides = array<i32>} : memref<1040xf32, #tpu.memory_space<vmem>>, vector<16xf32>,
        %get3A = arith.index_cast %mul3A_164 : i32 to index
        %get3A_197 = tpu.vector_load %arg7[%get3A] {strides = array<i32>} : memref<1040xf32, #tpu.memory_space<vmem>>, vector<16xf32>,
        %gt3A = arith.constant 9.900000e-01 : f32
        %gt3A_198 = vector.broadcast %gt3A : f32 to vector<16xf32>
        %gt3A_199 = arith.cmpf ogt, %get3A_197, %gt3A_198 : vector<16xf32>
        %convert_element_type3A = arith.extui %gt3A_199 : vector<16xi1> to vector<16xi32>
        %swap3A_200 = arith.index_cast %mul3A_164 : i32 to index
        %swap3A_201 = tpu.vector_load %arg15[%swap3A_200] {strides = array<i32>} : memref<1040xi32, #tpu.memory_space<vmem>>, vector<16xi32>,
        tpu.vector_store %arg15[%swap3A_200], %convert_element_type3A {strides = array<i32>} : memref<1040xi32, #tpu.memory_space<vmem>>, vector<16xi32>,
      }
      %broadcast_in_dim3A_136 = arith.constant 2.000000e+09 : f32
      %broadcast_in_dim3A_137 = vector.broadcast %broadcast_in_dim3A_136 : f32 to vector<16xf32>
      %swap3A = arith.constant 1024 : index
      %swap3A_138 = tpu.vector_load %arg10[%swap3A] {strides = array<i32>} : memref<1040xf32, #tpu.memory_space<vmem>>, vector<16xf32>,
      tpu.vector_store %arg10[%swap3A], %broadcast_in_dim3A_137 {strides = array<i32>} : memref<1040xf32, #tpu.memory_space<vmem>>, vector<16xf32>,
      %broadcast_in_dim3A_139 = arith.constant 2.000000e+09 : f32
      %broadcast_in_dim3A_140 = vector.broadcast %broadcast_in_dim3A_139 : f32 to vector<16xf32>
      %swap3A_141 = arith.constant 1024 : index
      %swap3A_142 = tpu.vector_load %arg11[%swap3A_141] {strides = array<i32>} : memref<1040xf32, #tpu.memory_space<vmem>>, vector<16xf32>,
      tpu.vector_store %arg11[%swap3A_141], %broadcast_in_dim3A_140 {strides = array<i32>} : memref<1040xf32, #tpu.memory_space<vmem>>, vector<16xf32>,
      %broadcast_in_dim3A_143 = arith.constant 2.000000e+09 : f32
      %broadcast_in_dim3A_144 = vector.broadcast %broadcast_in_dim3A_143 : f32 to vector<16xf32>
      %swap3A_145 = arith.constant 1024 : index
      %swap3A_146 = tpu.vector_load %arg12[%swap3A_145] {strides = array<i32>} : memref<1040xf32, #tpu.memory_space<vmem>>, vector<16xf32>,
      tpu.vector_store %arg12[%swap3A_145], %broadcast_in_dim3A_144 {strides = array<i32>} : memref<1040xf32, #tpu.memory_space<vmem>>, vector<16xf32>,
      %broadcast_in_dim3A_147 = arith.constant 2.000000e+09 : f32
      %broadcast_in_dim3A_148 = vector.broadcast %broadcast_in_dim3A_147 : f32 to vector<16xf32>
      %swap3A_149 = arith.constant 1024 : index
      %swap3A_150 = tpu.vector_load %arg13[%swap3A_149] {strides = array<i32>} : memref<1040xf32, #tpu.memory_space<vmem>>, vector<16xf32>,
      tpu.vector_store %arg13[%swap3A_149], %broadcast_in_dim3A_148 {strides = array<i32>} : memref<1040xf32, #tpu.memory_space<vmem>>, vector<16xf32>,
      %broadcast_in_dim3A_151 = arith.constant 1.000000e+00 : f32
      %broadcast_in_dim3A_152 = vector.broadcast %broadcast_in_dim3A_151 : f32 to vector<16xf32>
      %swap3A_153 = arith.constant 1024 : index
      %swap3A_154 = tpu.vector_load %arg14[%swap3A_153] {strides = array<i32>} : memref<1040xf32, #tpu.memory_space<vmem>>, vector<16xf32>,
      tpu.vector_store %arg14[%swap3A_153], %broadcast_in_dim3A_152 {strides = array<i32>} : memref<1040xf32, #tpu.memory_space<vmem>>, vector<16xf32>,
      %iota3A = tpu.iota {dimensions = array<i32: 0>} : vector<16xi32>
      %eq3A_155 = arith.constant 0 : i32
      %eq3A_156 = vector.broadcast %eq3A_155 : i32 to vector<16xi32>
      %eq3A_157 = arith.cmpi eq, %iota3A, %eq3A_156 : vector<16xi32>
      %while3A_158 = arith.constant 1024 : i32
      %while3A_159 = arith.constant 1.000000e+00 : f32
      %while3A_160 = arith.constant 0 : i32
      %while3A_161:3 = scf.while (%while3A_162 = %while3A_158, %while3A_163 = %while3A_159, %while3A_164 = %while3A_160) : (i32, f32, i32) -> (i32, f32, i32) {
        %gt3A = arith.constant 0.000000e+00 : f32
        %gt3A_165 = arith.cmpf ogt, %while3A_163, %gt3A : f32
        scf.condition(%gt3A_165) %while3A_162, %while3A_163, %while3A_164 : i32, f32, i32
      } do {
      ^bb0(%while3A_162: i32, %while3A_163: f32, %while3A_164: i32):
        %get3A = arith.index_cast %while3A_162 : i32 to index
        %get3A_165 = tpu.vector_load %arg10[%get3A] {strides = array<i32>} : memref<1040xf32, #tpu.memory_space<vmem>>, vector<16xf32>,
        %slice3A = vector.extract_strided_slice %get3A_165 {offsets = [0], sizes = [1], strides = [1]} : vector<16xf32> to vector<1xf32>
        %squeeze3A = vector.extract %slice3A[0] : f32 from vector<1xf32>
        %get3A_166 = arith.index_cast %while3A_162 : i32 to index
        %get3A_167 = tpu.vector_load %arg11[%get3A_166] {strides = array<i32>} : memref<1040xf32, #tpu.memory_space<vmem>>, vector<16xf32>,
        %slice3A_168 = vector.extract_strided_slice %get3A_167 {offsets = [0], sizes = [1], strides = [1]} : vector<16xf32> to vector<1xf32>
        %squeeze3A_169 = vector.extract %slice3A_168[0] : f32 from vector<1xf32>
        %get3A_170 = arith.index_cast %while3A_162 : i32 to index
        %get3A_171 = tpu.vector_load %arg12[%get3A_170] {strides = array<i32>} : memref<1040xf32, #tpu.memory_space<vmem>>, vector<16xf32>,
        %slice3A_172 = vector.extract_strided_slice %get3A_171 {offsets = [0], sizes = [1], strides = [1]} : vector<16xf32> to vector<1xf32>
        %squeeze3A_173 = vector.extract %slice3A_172[0] : f32 from vector<1xf32>
        %get3A_174 = arith.index_cast %while3A_162 : i32 to index
        %get3A_175 = tpu.vector_load %arg13[%get3A_174] {strides = array<i32>} : memref<1040xf32, #tpu.memory_space<vmem>>, vector<16xf32>,
        %slice3A_176 = vector.extract_strided_slice %get3A_175 {offsets = [0], sizes = [1], strides = [1]} : vector<16xf32> to vector<1xf32>
        %squeeze3A_177 = vector.extract %slice3A_176[0] : f32 from vector<1xf32>
        %get3A_178 = arith.index_cast %while3A_162 : i32 to index
        %get3A_179 = tpu.vector_load %arg14[%get3A_178] {strides = array<i32>} : memref<1040xf32, #tpu.memory_space<vmem>>, vector<16xf32>,
        %slice3A_180 = vector.extract_strided_slice %get3A_179 {offsets = [0], sizes = [1], strides = [1]} : vector<16xf32> to vector<1xf32>
        %squeeze3A_181 = vector.extract %slice3A_180[0] : f32 from vector<1xf32>
        %get3A_182 = arith.index_cast %while3A_162 : i32 to index
        %get3A_183 = tpu.vector_load %arg8[%get3A_182] {strides = array<i32>} : memref<1040xi32, #tpu.memory_space<vmem>>, vector<16xi32>,
        %slice3A_184 = vector.extract_strided_slice %get3A_183 {offsets = [0], sizes = [1], strides = [1]} : vector<16xi32> to vector<1xi32>
        %squeeze3A_185 = vector.extract %slice3A_184[0] : i32 from vector<1xi32>
        %lt3A_186 = arith.constant 1024 : i32
        %lt3A_187 = arith.cmpi slt, %while3A_162, %lt3A_186 : i32
        %and3A_188 = vector.broadcast %lt3A_187 : i1 to vector<16xi1>
        %and3A_189 = arith.andi %eq3A_157, %and3A_188 : vector<16xi1>
        %lt3A_190 = arith.constant 128 : i32
        %lt3A_191 = arith.cmpi slt, %while3A_164, %lt3A_190 : i32
        %and3A_192 = vector.broadcast %lt3A_191 : i1 to vector<16xi1>
        %and3A_193 = arith.andi %and3A_189, %and3A_192 : vector<16xi1>
        %jit3A_194 = arith.constant 0 : i32
        %jit3A_195 = arith.constant 127 : i32
        %max3A = arith.maxsi %jit3A_194, %while3A_164 : i32
        %min3A = arith.minsi %jit3A_195, %max3A : i32
        %broadcast_in_dim3A_196 = arith.constant 0 : i32
        %broadcast_in_dim3A_197 = vector.broadcast %broadcast_in_dim3A_196 : i32 to vector<16xi32>
        %add3A_198 = vector.broadcast %min3A : i32 to vector<16xi32>
        %add3A_199 = arith.addi %broadcast_in_dim3A_197, %add3A_198 : vector<16xi32>
        %broadcast_in_dim3A_200 = arith.constant 0.000000e+00 : f32
        %broadcast_in_dim3A_201 = vector.broadcast %broadcast_in_dim3A_200 : f32 to vector<16xf32>
        %add3A_202 = vector.broadcast %while3A_163 : f32 to vector<16xf32>
        %add3A_203 = arith.addf %broadcast_in_dim3A_201, %add3A_202 : vector<16xf32>
        tpu.vector_store_idx %arg16[%add3A_199], %add3A_203 masked %and3A_193 : memref<128xf32, #tpu.memory_space<vmem>>[vector<16xi32>], vector<16xf32>, vector<16xi1>
        %broadcast_in_dim3A_204 = arith.constant 0 : i32
        %broadcast_in_dim3A_205 = vector.broadcast %broadcast_in_dim3A_204 : i32 to vector<16xi32>
        %add3A_206 = vector.broadcast %min3A : i32 to vector<16xi32>
        %add3A_207 = arith.addi %broadcast_in_dim3A_205, %add3A_206 : vector<16xi32>
        %broadcast_in_dim3A_208 = arith.constant 0 : i32
        %broadcast_in_dim3A_209 = vector.broadcast %broadcast_in_dim3A_208 : i32 to vector<16xi32>
        %mul3A_210 = arith.constant 32768 : i32
        %mul3A_211 = arith.muli %select_n3A_42, %mul3A_210 : i32
        %add3A_212 = vector.broadcast %mul3A_211 : i32 to vector<16xi32>
        %add3A_213 = arith.addi %broadcast_in_dim3A_209, %add3A_212 : vector<16xi32>
        %add3A_214 = vector.broadcast %squeeze3A_185 : i32 to vector<16xi32>
        %add3A_215 = arith.addi %add3A_213, %add3A_214 : vector<16xi32>
        tpu.vector_store_idx %arg17[%add3A_207], %add3A_215 masked %and3A_193 : memref<128xi32, #tpu.memory_space<vmem>>[vector<16xi32>], vector<16xi32>, vector<16xi1>
        %broadcast_in_dim3A_216 = arith.constant 0xFF800000 : f32
        %broadcast_in_dim3A_217 = vector.broadcast %broadcast_in_dim3A_216 : f32 to vector<16xf32>
        %broadcast_in_dim3A_218 = arith.constant 1073741824 : i32
        %broadcast_in_dim3A_219 = vector.broadcast %broadcast_in_dim3A_218 : i32 to vector<16xi32>
        %while3A_220 = arith.constant 0 : i32
        %while3A_221 = arith.subi %select_n3A_90, %while3A_220 : i32
        %while3A_222 = arith.addi %while3A_220, %while3A_221 : i32
        %while3A_223 = arith.constant 1 : i32
        %while3A_224 = arith.divsi %while3A_221, %while3A_223 : i32
        %while3A_225 = arith.muli %while3A_224, %while3A_223 : i32
        %while3A_226 = arith.addi %while3A_220, %while3A_225 : i32
        %while3A_227 = arith.constant 1 : i32
        %while3A_228:2 = scf.for %while3A_249 = %while3A_220 to %while3A_226 step %while3A_227 iter_args(%while3A_250 = %broadcast_in_dim3A_217, %while3A_251 = %broadcast_in_dim3A_219) -> (vector<16xf32>, vector<16xi32>)  : i32 {
          %mul3A_252 = arith.constant 16 : i32
          %mul3A_253 = arith.muli %while3A_249, %mul3A_252 : i32
          %iota3A_254 = tpu.iota {dimensions = array<i32: 0>} : vector<16xi32>
          %mul3A_255 = arith.constant 16 : i32
          %mul3A_256 = arith.muli %while3A_249, %mul3A_255 : i32
          %add3A_257 = vector.broadcast %mul3A_256 : i32 to vector<16xi32>
          %add3A_258 = arith.addi %iota3A_254, %add3A_257 : vector<16xi32>
          %get3A_259 = arith.index_cast %mul3A_253 : i32 to index
          %get3A_260 = tpu.vector_load %arg15[%get3A_259] {strides = array<i32>} : memref<1040xi32, #tpu.memory_space<vmem>>, vector<16xi32>,
          %ne3A_261 = arith.constant 0 : i32
          %ne3A_262 = vector.broadcast %ne3A_261 : i32 to vector<16xi32>
          %ne3A_263 = arith.cmpi ne, %get3A_260, %ne3A_262 : vector<16xi32>
          %get3A_264 = arith.index_cast %mul3A_253 : i32 to index
          %get3A_265 = tpu.vector_load %arg10[%get3A_264] {strides = array<i32>} : memref<1040xf32, #tpu.memory_space<vmem>>, vector<16xf32>,
          %max3A_266 = vector.broadcast %squeeze3A : f32 to vector<16xf32>
          %max3A_267 = arith.maximumf %max3A_266, %get3A_265 : vector<16xf32>
          %get3A_268 = arith.index_cast %mul3A_253 : i32 to index
          %get3A_269 = tpu.vector_load %arg11[%get3A_268] {strides = array<i32>} : memref<1040xf32, #tpu.memory_space<vmem>>, vector<16xf32>,
          %max3A_270 = vector.broadcast %squeeze3A_169 : f32 to vector<16xf32>
          %max3A_271 = arith.maximumf %max3A_270, %get3A_269 : vector<16xf32>
          %get3A_272 = arith.index_cast %mul3A_253 : i32 to index
          %get3A_273 = tpu.vector_load %arg12[%get3A_272] {strides = array<i32>} : memref<1040xf32, #tpu.memory_space<vmem>>, vector<16xf32>,
          %min3A_274 = vector.broadcast %squeeze3A_173 : f32 to vector<16xf32>
          %min3A_275 = arith.minimumf %min3A_274, %get3A_273 : vector<16xf32>
          %get3A_276 = arith.index_cast %mul3A_253 : i32 to index
          %get3A_277 = tpu.vector_load %arg13[%get3A_276] {strides = array<i32>} : memref<1040xf32, #tpu.memory_space<vmem>>, vector<16xf32>,
          %min3A_278 = vector.broadcast %squeeze3A_177 : f32 to vector<16xf32>
          %min3A_279 = arith.minimumf %min3A_278, %get3A_277 : vector<16xf32>
          %sub3A_280 = arith.subf %min3A_275, %max3A_267 : vector<16xf32>
          %max3A_281 = arith.constant 0.000000e+00 : f32
          %max3A_282 = vector.broadcast %max3A_281 : f32 to vector<16xf32>
          %max3A_283 = arith.maximumf %sub3A_280, %max3A_282 : vector<16xf32>
          %sub3A_284 = arith.subf %min3A_279, %max3A_271 : vector<16xf32>
          %max3A_285 = arith.constant 0.000000e+00 : f32
          %max3A_286 = vector.broadcast %max3A_285 : f32 to vector<16xf32>
          %max3A_287 = arith.maximumf %sub3A_284, %max3A_286 : vector<16xf32>
          %mul3A_288 = arith.mulf %max3A_283, %max3A_287 : vector<16xf32>
          %get3A_289 = arith.index_cast %mul3A_253 : i32 to index
          %get3A_290 = tpu.vector_load %arg14[%get3A_289] {strides = array<i32>} : memref<1040xf32, #tpu.memory_space<vmem>>, vector<16xf32>,
          %add3A_291 = vector.broadcast %squeeze3A_181 : f32 to vector<16xf32>
          %add3A_292 = arith.addf %add3A_291, %get3A_290 : vector<16xf32>
          %sub3A_293 = arith.subf %add3A_292, %mul3A_288 : vector<16xf32>
          %max3A_294 = arith.constant 9.99999993E-9 : f32
          %max3A_295 = vector.broadcast %max3A_294 : f32 to vector<16xf32>
          %max3A_296 = arith.maximumf %sub3A_293, %max3A_295 : vector<16xf32>
          %div3A_297 = arith.divf %mul3A_288, %max3A_296 : vector<16xf32>
          %gt3A = arith.constant 5.000000e-01 : f32
          %gt3A_298 = vector.broadcast %gt3A : f32 to vector<16xf32>
          %gt3A_299 = arith.cmpf ogt, %div3A_297, %gt3A_298 : vector<16xf32>
          %eq3A_300 = vector.broadcast %while3A_162 : i32 to vector<16xi32>
          %eq3A_301 = arith.cmpi eq, %add3A_258, %eq3A_300 : vector<16xi32>
          %or3A = arith.ori %gt3A_299, %eq3A_301 : vector<16xi1>
          %not3A = arith.constant dense<true> : vector<16xi1>
          %not3A_302 = arith.xori %or3A, %not3A : vector<16xi1>
          %and3A_303 = arith.andi %ne3A_263, %not3A_302 : vector<16xi1>
          %convert_element_type3A_304 = arith.extui %and3A_303 : vector<16xi1> to vector<16xi32>
          %swap3A_305 = arith.index_cast %mul3A_253 : i32 to index
          %swap3A_306 = tpu.vector_load %arg15[%swap3A_305] {strides = array<i32>} : memref<1040xi32, #tpu.memory_space<vmem>>, vector<16xi32>,
          tpu.vector_store %arg15[%swap3A_305], %convert_element_type3A_304 {strides = array<i32>} : memref<1040xi32, #tpu.memory_space<vmem>>, vector<16xi32>,
          %get3A_307 = arith.index_cast %mul3A_253 : i32 to index
          %get3A_308 = tpu.vector_load %arg7[%get3A_307] {strides = array<i32>} : memref<1040xf32, #tpu.memory_space<vmem>>, vector<16xf32>,
          %broadcast_in_dim3A_309 = arith.constant 0xFF800000 : f32
          %broadcast_in_dim3A_310 = vector.broadcast %broadcast_in_dim3A_309 : f32 to vector<16xf32>
          %select_n3A_311 = arith.select %and3A_303, %get3A_308, %broadcast_in_dim3A_310 : vector<16xi1>, vector<16xf32>
          %gt3A_312 = arith.cmpf ogt, %select_n3A_311, %while3A_250 : vector<16xf32>
          %select_n3A_313 = arith.select %gt3A_312, %select_n3A_311, %while3A_250 : vector<16xi1>, vector<16xf32>
          %select_n3A_314 = arith.select %gt3A_312, %add3A_258, %while3A_251 : vector<16xi1>, vector<16xi32>
          scf.yield %select_n3A_313, %select_n3A_314 : vector<16xf32>, vector<16xi32>
        }
        %while3A_229 = arith.constant 1 : i32
        %while3A_230:2 = scf.for %while3A_249 = %while3A_226 to %while3A_222 step %while3A_229 iter_args(%while3A_250 = %while3A_228#0, %while3A_251 = %while3A_228#1) -> (vector<16xf32>, vector<16xi32>)  : i32 {
          %mul3A_252 = arith.constant 16 : i32
          %mul3A_253 = arith.muli %while3A_249, %mul3A_252 : i32
          %iota3A_254 = tpu.iota {dimensions = array<i32: 0>} : vector<16xi32>
          %mul3A_255 = arith.constant 16 : i32
          %mul3A_256 = arith.muli %while3A_249, %mul3A_255 : i32
          %add3A_257 = vector.broadcast %mul3A_256 : i32 to vector<16xi32>
          %add3A_258 = arith.addi %iota3A_254, %add3A_257 : vector<16xi32>
          %get3A_259 = arith.index_cast %mul3A_253 : i32 to index
          %get3A_260 = tpu.vector_load %arg15[%get3A_259] {strides = array<i32>} : memref<1040xi32, #tpu.memory_space<vmem>>, vector<16xi32>,
          %ne3A_261 = arith.constant 0 : i32
          %ne3A_262 = vector.broadcast %ne3A_261 : i32 to vector<16xi32>
          %ne3A_263 = arith.cmpi ne, %get3A_260, %ne3A_262 : vector<16xi32>
          %get3A_264 = arith.index_cast %mul3A_253 : i32 to index
          %get3A_265 = tpu.vector_load %arg10[%get3A_264] {strides = array<i32>} : memref<1040xf32, #tpu.memory_space<vmem>>, vector<16xf32>,
          %max3A_266 = vector.broadcast %squeeze3A : f32 to vector<16xf32>
          %max3A_267 = arith.maximumf %max3A_266, %get3A_265 : vector<16xf32>
          %get3A_268 = arith.index_cast %mul3A_253 : i32 to index
          %get3A_269 = tpu.vector_load %arg11[%get3A_268] {strides = array<i32>} : memref<1040xf32, #tpu.memory_space<vmem>>, vector<16xf32>,
          %max3A_270 = vector.broadcast %squeeze3A_169 : f32 to vector<16xf32>
          %max3A_271 = arith.maximumf %max3A_270, %get3A_269 : vector<16xf32>
          %get3A_272 = arith.index_cast %mul3A_253 : i32 to index
          %get3A_273 = tpu.vector_load %arg12[%get3A_272] {strides = array<i32>} : memref<1040xf32, #tpu.memory_space<vmem>>, vector<16xf32>,
          %min3A_274 = vector.broadcast %squeeze3A_173 : f32 to vector<16xf32>
          %min3A_275 = arith.minimumf %min3A_274, %get3A_273 : vector<16xf32>
          %get3A_276 = arith.index_cast %mul3A_253 : i32 to index
          %get3A_277 = tpu.vector_load %arg13[%get3A_276] {strides = array<i32>} : memref<1040xf32, #tpu.memory_space<vmem>>, vector<16xf32>,
          %min3A_278 = vector.broadcast %squeeze3A_177 : f32 to vector<16xf32>
          %min3A_279 = arith.minimumf %min3A_278, %get3A_277 : vector<16xf32>
          %sub3A_280 = arith.subf %min3A_275, %max3A_267 : vector<16xf32>
          %max3A_281 = arith.constant 0.000000e+00 : f32
          %max3A_282 = vector.broadcast %max3A_281 : f32 to vector<16xf32>
          %max3A_283 = arith.maximumf %sub3A_280, %max3A_282 : vector<16xf32>
          %sub3A_284 = arith.subf %min3A_279, %max3A_271 : vector<16xf32>
          %max3A_285 = arith.constant 0.000000e+00 : f32
          %max3A_286 = vector.broadcast %max3A_285 : f32 to vector<16xf32>
          %max3A_287 = arith.maximumf %sub3A_284, %max3A_286 : vector<16xf32>
          %mul3A_288 = arith.mulf %max3A_283, %max3A_287 : vector<16xf32>
          %get3A_289 = arith.index_cast %mul3A_253 : i32 to index
          %get3A_290 = tpu.vector_load %arg14[%get3A_289] {strides = array<i32>} : memref<1040xf32, #tpu.memory_space<vmem>>, vector<16xf32>,
          %add3A_291 = vector.broadcast %squeeze3A_181 : f32 to vector<16xf32>
          %add3A_292 = arith.addf %add3A_291, %get3A_290 : vector<16xf32>
          %sub3A_293 = arith.subf %add3A_292, %mul3A_288 : vector<16xf32>
          %max3A_294 = arith.constant 9.99999993E-9 : f32
          %max3A_295 = vector.broadcast %max3A_294 : f32 to vector<16xf32>
          %max3A_296 = arith.maximumf %sub3A_293, %max3A_295 : vector<16xf32>
          %div3A_297 = arith.divf %mul3A_288, %max3A_296 : vector<16xf32>
          %gt3A = arith.constant 5.000000e-01 : f32
          %gt3A_298 = vector.broadcast %gt3A : f32 to vector<16xf32>
          %gt3A_299 = arith.cmpf ogt, %div3A_297, %gt3A_298 : vector<16xf32>
          %eq3A_300 = vector.broadcast %while3A_162 : i32 to vector<16xi32>
          %eq3A_301 = arith.cmpi eq, %add3A_258, %eq3A_300 : vector<16xi32>
          %or3A = arith.ori %gt3A_299, %eq3A_301 : vector<16xi1>
          %not3A = arith.constant dense<true> : vector<16xi1>
          %not3A_302 = arith.xori %or3A, %not3A : vector<16xi1>
          %and3A_303 = arith.andi %ne3A_263, %not3A_302 : vector<16xi1>
          %convert_element_type3A_304 = arith.extui %and3A_303 : vector<16xi1> to vector<16xi32>
          %swap3A_305 = arith.index_cast %mul3A_253 : i32 to index
          %swap3A_306 = tpu.vector_load %arg15[%swap3A_305] {strides = array<i32>} : memref<1040xi32, #tpu.memory_space<vmem>>, vector<16xi32>,
          tpu.vector_store %arg15[%swap3A_305], %convert_element_type3A_304 {strides = array<i32>} : memref<1040xi32, #tpu.memory_space<vmem>>, vector<16xi32>,
          %get3A_307 = arith.index_cast %mul3A_253 : i32 to index
          %get3A_308 = tpu.vector_load %arg7[%get3A_307] {strides = array<i32>} : memref<1040xf32, #tpu.memory_space<vmem>>, vector<16xf32>,
          %broadcast_in_dim3A_309 = arith.constant 0xFF800000 : f32
          %broadcast_in_dim3A_310 = vector.broadcast %broadcast_in_dim3A_309 : f32 to vector<16xf32>
          %select_n3A_311 = arith.select %and3A_303, %get3A_308, %broadcast_in_dim3A_310 : vector<16xi1>, vector<16xf32>
          %gt3A_312 = arith.cmpf ogt, %select_n3A_311, %while3A_250 : vector<16xf32>
          %select_n3A_313 = arith.select %gt3A_312, %select_n3A_311, %while3A_250 : vector<16xi1>, vector<16xf32>
          %select_n3A_314 = arith.select %gt3A_312, %add3A_258, %while3A_251 : vector<16xi1>, vector<16xi32>
          scf.yield %select_n3A_313, %select_n3A_314 : vector<16xf32>, vector<16xi32>
        }
        %reduce_max3A = arith.constant true
        %reduce_max3A_231 = vector.broadcast %reduce_max3A : i1 to vector<16xi1>
        %reduce_max3A_232 = tpu.scan <max>, %while3A_230#0 masked %reduce_max3A_231 : vector<16xf32>, vector<16xi1> -> vector<16xf32>
        %reduce_max3A_233 = vector.extract %reduce_max3A_232[15] : f32 from vector<16xf32>
        %eq3A_234 = vector.broadcast %reduce_max3A_233 : f32 to vector<16xf32>
        %eq3A_235 = arith.cmpf oeq, %while3A_230#0, %eq3A_234 : vector<16xf32>
        %broadcast_in_dim3A_236 = arith.constant 1073741824 : i32
        %broadcast_in_dim3A_237 = vector.broadcast %broadcast_in_dim3A_236 : i32 to vector<16xi32>
        %select_n3A_238 = arith.select %eq3A_235, %while3A_230#1, %broadcast_in_dim3A_237 : vector<16xi1>, vector<16xi32>
        %reduce_min3A = arith.constant true
        %reduce_min3A_239 = vector.broadcast %reduce_min3A : i1 to vector<16xi1>
        %reduce_min3A_240 = arith.constant -2147483648 : i32
        %reduce_min3A_241 = vector.broadcast %reduce_min3A_240 : i32 to vector<16xi32>
        %reduce_min3A_242 = arith.xori %select_n3A_238, %reduce_min3A_241 : vector<16xi32>
        %reduce_min3A_243 = tpu.scan <min>, %reduce_min3A_242 masked %reduce_min3A_239 : vector<16xi32>, vector<16xi1> -> vector<16xi32>
        %reduce_min3A_244 = arith.xori %reduce_min3A_243, %reduce_min3A_241 : vector<16xi32>
        %reduce_min3A_245 = vector.extract %reduce_min3A_244[15] : i32 from vector<16xi32>
        %min3A_246 = arith.constant 1024 : i32
        %min3A_247 = arith.minsi %reduce_min3A_245, %min3A_246 : i32
        %convert_element_type3A = arith.extui %lt3A_187 : i1 to i32
        %add3A_248 = arith.addi %while3A_164, %convert_element_type3A : i32
        scf.yield %min3A_247, %reduce_max3A_233, %add3A_248 : i32, f32, i32
      }
      "tpu.region"() ({
        %run_scoped3A = tpu.sem_alloc : memref<!tpu.dma_semaphore, #tpu.memory_space<semaphore_mem>>
        %dma_start3A = arith.constant 0 : i32
        %dma_start3A_162 = tpu.memref_slice %arg4[%select_n3A, %select_n3A_42, %dma_start3A] : memref<8x8x128xf32, #tpu.memory_space<hbm>> -> memref<1x1x128xf32, #tpu.memory_space<hbm>>
        %dma_start3A_163 = tpu.memref_squeeze %dma_start3A_162 : memref<1x1x128xf32, #tpu.memory_space<hbm>> -> memref<128xf32, #tpu.memory_space<hbm>>
        %dma_start3A_164 = arith.constant 0 : i32
        %dma_start3A_165 = tpu.memref_slice %arg4[%select_n3A, %select_n3A_42, %dma_start3A_164] : memref<8x8x128xf32, #tpu.memory_space<hbm>> -> memref<1x1x128xf32, #tpu.memory_space<hbm>>
        %dma_start3A_166 = tpu.memref_squeeze %dma_start3A_165 : memref<1x1x128xf32, #tpu.memory_space<hbm>> -> memref<128xf32, #tpu.memory_space<hbm>>
        tpu.enqueue_dma source(%arg16 : memref<128xf32, #tpu.memory_space<vmem>>) target(%dma_start3A_166 : memref<128xf32, #tpu.memory_space<hbm>>) target_semaphore(%run_scoped3A : memref<!tpu.dma_semaphore, #tpu.memory_space<semaphore_mem>>)
        %dma_wait3A = arith.constant 0 : i32
        %dma_wait3A_167 = tpu.memref_slice %arg4[%select_n3A, %select_n3A_42, %dma_wait3A] : memref<8x8x128xf32, #tpu.memory_space<hbm>> -> memref<1x1x128xf32, #tpu.memory_space<hbm>>
        %dma_wait3A_168 = tpu.memref_squeeze %dma_wait3A_167 : memref<1x1x128xf32, #tpu.memory_space<hbm>> -> memref<128xf32, #tpu.memory_space<hbm>>
        %dma_wait3A_169 = arith.constant 0 : i32
        %dma_wait3A_170 = tpu.memref_slice %arg4[%select_n3A, %select_n3A_42, %dma_wait3A_169] : memref<8x8x128xf32, #tpu.memory_space<hbm>> -> memref<1x1x128xf32, #tpu.memory_space<hbm>>
        %dma_wait3A_171 = tpu.memref_squeeze %dma_wait3A_170 : memref<1x1x128xf32, #tpu.memory_space<hbm>> -> memref<128xf32, #tpu.memory_space<hbm>>
        tpu.wait_dma2 semaphore(%run_scoped3A : memref<!tpu.dma_semaphore, #tpu.memory_space<semaphore_mem>>) src(%arg16 : memref<128xf32, #tpu.memory_space<vmem>>) dst(%dma_wait3A_171 : memref<128xf32, #tpu.memory_space<hbm>>)
        tpu.yield
      }) : () -> ()
      "tpu.region"() ({
        %run_scoped3A = tpu.sem_alloc : memref<!tpu.dma_semaphore, #tpu.memory_space<semaphore_mem>>
        %dma_start3A = arith.constant 0 : i32
        %dma_start3A_162 = tpu.memref_slice %arg5[%select_n3A, %select_n3A_42, %dma_start3A] : memref<8x8x128xi32, #tpu.memory_space<hbm>> -> memref<1x1x128xi32, #tpu.memory_space<hbm>>
        %dma_start3A_163 = tpu.memref_squeeze %dma_start3A_162 : memref<1x1x128xi32, #tpu.memory_space<hbm>> -> memref<128xi32, #tpu.memory_space<hbm>>
        %dma_start3A_164 = arith.constant 0 : i32
        %dma_start3A_165 = tpu.memref_slice %arg5[%select_n3A, %select_n3A_42, %dma_start3A_164] : memref<8x8x128xi32, #tpu.memory_space<hbm>> -> memref<1x1x128xi32, #tpu.memory_space<hbm>>
        %dma_start3A_166 = tpu.memref_squeeze %dma_start3A_165 : memref<1x1x128xi32, #tpu.memory_space<hbm>> -> memref<128xi32, #tpu.memory_space<hbm>>
        tpu.enqueue_dma source(%arg17 : memref<128xi32, #tpu.memory_space<vmem>>) target(%dma_start3A_166 : memref<128xi32, #tpu.memory_space<hbm>>) target_semaphore(%run_scoped3A : memref<!tpu.dma_semaphore, #tpu.memory_space<semaphore_mem>>)
        %dma_wait3A = arith.constant 0 : i32
        %dma_wait3A_167 = tpu.memref_slice %arg5[%select_n3A, %select_n3A_42, %dma_wait3A] : memref<8x8x128xi32, #tpu.memory_space<hbm>> -> memref<1x1x128xi32, #tpu.memory_space<hbm>>
        %dma_wait3A_168 = tpu.memref_squeeze %dma_wait3A_167 : memref<1x1x128xi32, #tpu.memory_space<hbm>> -> memref<128xi32, #tpu.memory_space<hbm>>
        %dma_wait3A_169 = arith.constant 0 : i32
        %dma_wait3A_170 = tpu.memref_slice %arg5[%select_n3A, %select_n3A_42, %dma_wait3A_169] : memref<8x8x128xi32, #tpu.memory_space<hbm>> -> memref<1x1x128xi32, #tpu.memory_space<hbm>>
        %dma_wait3A_171 = tpu.memref_squeeze %dma_wait3A_170 : memref<1x1x128xi32, #tpu.memory_space<hbm>> -> memref<128xi32, #tpu.memory_space<hbm>>
        tpu.wait_dma2 semaphore(%run_scoped3A : memref<!tpu.dma_semaphore, #tpu.memory_space<semaphore_mem>>) src(%arg17 : memref<128xi32, #tpu.memory_space<vmem>>) dst(%dma_wait3A_171 : memref<128xi32, #tpu.memory_space<hbm>>)
        tpu.yield
      }) : () -> ()
    }
    %scan3A_4 = arith.constant 2 : i32
    return
  }
}

</mosaic_0001>

<sc_bundles>
// kernel: _k1.3.cloned.1.call-start
scs
__scs_entry_jumppad:
0x0: {  	(pc) =	sbr.rel $0x88, $3  }
0x1: {  	(tag) =	ssettag $0x0;
	lr =	simm.s32 $0x1  }
0x2: {  	[smem:$0x3F9F] =	sst lr;
	_ =	strace $0xD0000000  }
0x3: {  	_ = 	snop  }
0x4: {  	_ = 	snop  }
0x5: {  	_ = 	snop  }
0x6: {  	_ = 	snop  }
0x7: {  	_ = 	snop  }
__scs_overlays_trampoline_lowered:
0x8: {  	[smem:$0x3FAE] =	sst s0  }
0x9: {  	[smem:$0x3FAF] =	sst s1  }
0xa: {  	[smem:$0x3FB0] =	sst s2  }
0xb: {  	[smem:$0x3FB1] =	sst s3  }
0xc: {  	[smem:$0x3FB2] =	sst s4  }
0xd: {  	[smem:$0x3FB3] =	sst s5  }
0xe: {  	[smem:$0x3FB4] =	sst s6  }
0xf: {  	[smem:$0x3FB5] =	sst s7  }
0x10: {  	[smem:$0x3FB6] =	sst s8  }
0x11: {  	[smem:$0x3FB7] =	sst s9;
	s0 =	simm.s32 @!p0 $0x0  }
0x12: {  	s1 =	sld [smem:$0x3F9D];
	s0 =	simm.s32 @p0 $0x1  }
0x13: {  	[smem:$0x3FB8] =	sst s0;
	s0 =	simm.s32 @!p1 $0x0  }
0x14: {  	s2 =	sld [smem:$0x3F9C];
	s0 =	simm.s32 @p1 $0x1  }
0x15: {  	[smem:$0x3FB9] =	sst s0;
	s0 =	simm.s32 @!p2 $0x0  }
0x16: {  	s3 =	sld [smem:$0x3FDB];
	s0 =	simm.s32 @p2 $0x1  }
0x17: {  	s4 =	simm.s32 $0x1BF5;
	[smem:$0x3FBB] =	sst s0  }
0x18: {  	s0 =	sld [smem:$0x3F9E];
	_ =	swait.ge [sflag:s4], $0x0  }
0x19: {  	s7 =	sld [smem:$0x3F9F]  }
0x1a: {  	s8 =	sadd.s32 $0xFFFFE003, lr  }
0x1b: {  	s9 =	sadd.s32 $0xFFFFFEF7, lr;
	s5 =	simm.s32 $0xFFFFFFFF;
	p2 =	slt.u32 s8, $0xFFFFF086  }
0x1c: {  	p1 =	slt.u32 s9, $0xF7A;
	s5 =	simm.s32 @!p2 $0x0  }
0x1d: {  	s5 =	simm.s32 @p1 $0x1;
	p0 =	seq.s32 s7, s2  }
0x1e: {  	s7 =	smul.u32 @!p0 $0xF7A, s2;
	p2 =	seq.s32 @!p0 s5, $0x0  }
0x1f: {  	s9 =	smul.u32 $0xF7A, s1;
	s8 =	simm.s32 @!p0 $0x1BF5;
	p2 =	por !p2, p0  }
0x20: {  	[sflag:s8] =	ssyncset.s32 @!p0 $0xFFFFF086;
	s6 =	sadd.s32 @!p0 s3, s7;
	s7 =	simm.s32 @!p0 $0x108  }
0x21: {  	s3 =	sadd.s32 s3, s9;
	s6 =	sadd.s32 @!p0 $0x88, s6;
	s7 =	simm.s32 @p2 $0x1082  }
0x22: {  	[simem:s7], [sflag:s8] =	dma.local @!p0 [hbm:s6], $0xF7A  }
0x23: {  	s9 =	sor.u32 $0xD0000000, s2;
	s6 =	simm.s32 $0x108;
	_ =	swait.ge @!p0 [sflag:s8], $0x0  }
0x24: {  	s3 =	sadd.s32 $0x88, s3;
	s6 =	simm.s32 @!p1 $0x1082;
	[sflag:s4] =	ssyncset.s32 $0xFFFFF086  }
0x25: {  	[simem:s6], [sflag:s4] =	dma.local [hbm:s3], $0xF7A  }
0x26: {  	[smem:$0x3F9F] =	sst s1;
	(tag) =	ssettag s2;
	_ =	strace s9  }
0x27: {  	s1 =	sld [smem:$0x3FAF]  }
0x28: {  	s2 =	sld [smem:$0x3FB0]  }
0x29: {  	s4 =	sld [smem:$0x3FB2]  }
0x2a: {  	p0 =	seq.s32 s5, $0x0;
	s5 =	sld [smem:$0x3FB3]  }
0x2b: {  	s6 =	sld [smem:$0x3FB4]  }
0x2c: {  	s7 =	sld [smem:$0x3FB5]  }
0x2d: {  	s3 =	simm.s32 $0x108;
	s8 =	sld [smem:$0x3FB6]  }
0x2e: {  	s3 =	simm.s32 @!p0 $0x1082;
	s9 =	sld [smem:$0x3FB7]  }
0x2f: {  	lr =	sadd.s32 s0, s3;
	s0 =	sld [smem:$0x3FAE]  }
0x30: {  	s3 =	sld [smem:$0x3FB1]  }
0x31: {  	[smem:$0x3FBA] =	sst s10  }
0x32: {  	s10 =	sld [smem:$0x3FB8];
	_ =	sdelay $0x3  }
0x33: {  	p0 =	seq.s32 s10, $0x1;
	s10 =	sld [smem:$0x3FBA];
	_ =	sdelay $0x3  }
0x34: {  	[smem:$0x3FBA] =	sst s10  }
0x35: {  	s10 =	sld [smem:$0x3FB9];
	_ =	sdelay $0x3  }
0x36: {  	p1 =	seq.s32 s10, $0x1;
	s10 =	sld [smem:$0x3FBA];
	_ =	sdelay $0x3  }
0x37: {  	[smem:$0x3FBA] =	sst s10  }
0x38: {  	s10 =	sld [smem:$0x3FBB]  }
0x39: {  	_ = 	snop;
	(pc) =	sbr.ind lr, $3  }
0x3a: {  	_ = 	snop  }
0x3b: {  	_ = 	snop  }
0x3c: {  	p2 =	seq.s32 s10, $0x1;
	s10 =	sld [smem:$0x3FBA]  }
0x3d: {  	_ =	shalt  }
0x3e: {  	_ =	shalt  }
0x3f: {  	_ =	shalt  }
0x40: {  	_ =	shalt  }
0x41: {  	_ =	shalt  }
0x42: {  	_ =	shalt  }
0x43: {  	_ =	shalt  }
0x44: {  	_ =	shalt  }
0x45: {  	_ =	shalt  }
0x46: {  	_ =	shalt  }
0x47: {  	_ =	shalt  }
0x48: {  	_ =	shalt  }
0x49: {  	_ =	shalt  }
0x4a: {  	_ =	shalt  }
0x4b: {  	_ =	shalt  }
0x4c: {  	_ =	shalt  }
0x4d: {  	_ =	shalt  }
0x4e: {  	_ =	shalt  }
0x4f: {  	_ =	shalt  }
0x50: {  	_ =	shalt  }
0x51: {  	_ =	shalt  }
0x52: {  	_ =	shalt  }
0x53: {  	_ =	shalt  }
0x54: {  	_ =	shalt  }
0x55: {  	_ =	shalt  }
0x56: {  	_ =	shalt  }
0x57: {  	_ =	shalt  }
0x58: {  	_ =	shalt  }
0x59: {  	_ =	shalt  }
0x5a: {  	_ =	shalt  }
0x5b: {  	_ =	shalt  }
0x5c: {  	_ =	shalt  }
0x5d: {  	_ =	shalt  }
0x5e: {  	_ =	shalt  }
0x5f: {  	_ =	shalt  }
0x60: {  	_ =	shalt  }
0x61: {  	_ =	shalt  }
0x62: {  	_ =	shalt  }
0x63: {  	_ =	shalt  }
0x64: {  	_ =	shalt  }
0x65: {  	_ =	shalt  }
0x66: {  	_ =	shalt  }
0x67: {  	_ =	shalt  }
0x68: {  	_ =	shalt  }
0x69: {  	_ =	shalt  }
0x6a: {  	_ =	shalt  }
0x6b: {  	_ =	shalt  }
0x6c: {  	_ =	shalt  }
0x6d: {  	_ =	shalt  }
0x6e: {  	_ =	shalt  }
0x6f: {  	_ =	shalt  }
0x70: {  	_ =	shalt  }
0x71: {  	_ =	shalt  }
0x72: {  	_ =	shalt  }
0x73: {  	_ =	shalt  }
0x74: {  	_ =	shalt  }
0x75: {  	_ =	shalt  }
0x76: {  	_ =	shalt  }
0x77: {  	_ =	shalt  }
0x78: {  	_ =	shalt  }
0x79: {  	_ =	shalt  }
0x7a: {  	_ =	shalt  }
0x7b: {  	_ =	shalt  }
0x7c: {  	_ =	shalt  }
0x7d: {  	_ =	shalt  }
0x7e: {  	_ =	shalt  }
0x7f: {  	_ =	shalt  }
0x80: {  	_ =	shalt  }
0x81: {  	_ =	shalt  }
0x82: {  	_ =	shalt  }
0x83: {  	_ =	shalt  }
0x84: {  	_ =	shalt  }
0x85: {  	_ =	shalt  }
0x86: {  	_ =	shalt  }
0x87: {  	_ =	shalt  }
.Lfunc_end0:
.L_simem_size_0:
called_computation_lowered:
.L_overlay_start_0:
0x88: {  	s2 =	sld [smem:$0x3FD9]  }
0x89: {  	s3 =	sld [smem:$0x3FFE];
	_ =	sdelay $0x1  }
0x8a: {  	s1 =	srdreg.scid  }
0x8b: {  	s0 =	sand.u32 $0x1, s1  }
0x8c: {  	s14 =	sshll.u32 s0, $0xA;
	s2 =	sadd.s32 s3, s2  }
0x8d: {  	s2 =	sadd.s32 s2, s14  }
0x8e: {  	[smem:$0x3FC6] =	sst s2  }
0x8f: {  	_ = 	snop  }
0x90: {  	s2 =	sld [smem:$0x3FD0];
	_ =	sdelay $0x2  }
0x91: {  	s15 =	simm.s32 $0xA;
	s4 =	simm.s32 $0x10  }
0x92: {  	[smem:s4], [sflag:s15] =	dma.local [hbm:s2], $0x1  }
0x93: {  	_ =	swait.eq [sflag:s15], $0x1  }
0x94: {  	[sflag:s15] =	ssyncset.done $0x0  }
0x95: {  	s16 =	sld [smem:$0x10];
	[sflag:s15] =	ssyncadd.s32 $0xFFFFFFFF  }
0x96: {  	s17 =	sld [smem:$0x11];
	(tm) =	ssettm $0x1  }
0x97: {  	s18 =	sld [smem:$0x3FFB];
	_ =	sdelay $0x3  }
0x98: {  	_ =	strace s18  }
0x99: {  	s4 =	sld [smem:$0x3FFC];
	_ =	sdelay $0x3  }
0x9a: {  	_ =	strace s4  }
0x9b: {  	s4 =	sld [smem:$0x3FFD];
	_ =	sdelay $0x3  }
0x9c: {  	_ =	strace s4  }
0x9d: {  	_ =	strace $0x8FFFFFFF  }
0x9e: {  	s19 =	sld [smem:$0x3FDB];
	_ =	sdelay $0x1  }
0x9f: {  	s5 =	simm.s32 $_scs_section_size  }
0xa0: {  	s6 =	simm.s32 $_size__tile_overlayer_lowered;
	s7 =	simm.s32 $_tile_overlayer_lowered  }
0xa1: {  	s22 =	simm.s32 $0x1BFF;
	s21 =	sshll.u32 s7, $0x1;
	s4 =	sadd.s32 s5, s19  }
0xa2: {  	s8 =	simm.s32 $0x0;
	s20 =	sshll.u32 s6, $0x1;
	s6 =	sadd.s32 s21, s4  }
0xa3: {  	[timem:s8], [sflag:s22] =	dma.local [hbm:s6], s20  }
0xa4: {  	_ =	swait.ge [sflag:s22], s20  }
0xa5: {  	s5 =	ssub.s32 $0x0, s20;
	[sflag:s22] =	ssyncset.done $0x0  }
0xa6: {  	[sflag:s22] =	ssyncadd.s32 s5;
	_ =	sdelay $0x1  }
0xa7: {  	s23 =	simm.s32 $0x1B8B  }
0xa8: {  	_ =	swait.ge [sflag:s23], $0x1  }
0xa9: {  	[sflag:s23] =	ssyncset.done $0x0  }
0xaa: {  	s25 =	simm.s32 $0x1B8E;
	s24 =	sld [smem:$0x3FFE];
	[sflag:s23] =	ssyncadd.s32 $0xFFFFFFFF  }
0xab: {  	s26 =	simm.s32 $execute0_lowered;
	[smem:$0x3FD2] =	sst s25  }
0xac: {  	s6 =	sshll.u32 s26, $0x1;
	_ =	strace $0x80000046;
	[dreg:$0x1] =	wrdreg $0xFFFFFFFF  }
0xad: {  	s28 =	simm.s32 $_size_execute0_lowered;
	s4 =	sadd.s32 s4, s6;
	[dreg:$0x0] =	wrdreg $0x0  }
0xae: {  	s6 =	sshll.u32 s28, $0x1;
	[dreg:$0x2] =	wrdreg s4  }
0xaf: {  	[dreg:$0x3] =	wrdreg s6  }
0xb0: {  	[dreg:$0x4] =	wrdreg $0xC0  }
0xb1: {  	_ =	task [dreg:s8], $0x5FFFF  }
0xb2: {  	[dreg:$0x1] =	wrdreg $0xFFFFFFFF  }
0xb3: {  	[dreg:$0x0] =	wrdreg $0x60  }
0xb4: {  	[dreg:$0x2] =	wrdreg s24  }
0xb5: {  	[dreg:$0x3] =	wrdreg s16  }
0xb6: {  	[dreg:$0x4] =	wrdreg s17  }
0xb7: {  	[dreg:$0x5] =	wrdreg $0x9  }
0xb8: {  	_ =	task.clear_ibuf [dreg:s8], $0x6FFFF;
	_ =	strace $0x90000046  }
0xb9: {  	s29 =	simm.s32 $0x9;
	_ =	strace $0x80000048  }
0xba: {  	_ =	swait.ge [sflag:s29], $0x1  }
0xbb: {  	[sflag:s29] =	ssyncadd.s32 $0xFFFFFFFF  }
0xbc: {  	_ =	strace $0x90000048  }
0xbd: {  	_ =	sfence  }
0xbe: {  	s30 =	sld [smem:$0x0];
	_ =	sdelay $0x2  }
0xbf: {  	s31 =	sshll.u32 s1, $0xD;
	s1 =	sshrl.u32 s1, $0x2  }
0xc0: {  	s3 =	sand.u32 $0x4000, s31;
	s1 =	sadd.s32 s1, s30  }
0xc1: {  	s0 =	sor.u32 s3, s0;
	s1 =	sshll.u32 s1, $0x11  }
0xc2: {  	s0 =	sor.u32 s1, s0  }
0xc3: {  	s0 =	sadd.s32 $0x8F2B, s0  }
0xc4: {  	[sflag:s0] =	ssyncadd.remote.s32 $0x1  }
0xc5: {  	_ =	sfence.sel $0xFFFF  }
0xc6: {  	[dreg:$0x0] =	wrdreg $0xFFFFFFFF;
	(pc) =	sbr.abs _section_cstart, $3  }
0xc7: {  	[dreg:$0x1] =	wrdreg $0xFFFFFFFF  }
0xc8: {  	_ =	task.clear_ibuf [dreg:s8], $0x2FFFF;
	_ =	strace $0x9FFFFFFF  }
0xc9: {  	(tm) =	ssettm $0x7FFFFFFF  }
tec
execute0_lowered:
.L_overlay_start_1:
0x0: {  	(tag) =	ssettag $0x1  }
0x1: {  	s0 =	rddreg [dreg:$0x0]  }
0x2: {  	s2 =	rddreg [dreg:$0x1]  }
0x3: {  	s3 =	rddreg [dreg:$0x2];
	s4 =	stileid.u32  }
0x4: {  	s1 =	srdreg.scid;
	s5 =	simm.s32 $0x0;
	s11 =	simm.s32 $0x1  }
0x5: {  	s12 =	simm.s32 $0x80;
	s13 =	simm.s32 $0x46A0;
	s14 =	simm.s32 $0x9F00  }
0x6: {  	s15 =	simm.s32 $0x9F80;
	s16 =	simm.s32 $0x0;
	s4 =	sshll.u32 s4, $0x1  }
.Ltmp0:
0x7: {  	s1 =	sand.u32 $0x1, s1;
	[smem:$0x7FF] =	sst s5;
	(pc) =	sbr.rel .LBB2_1-.Ltmp0, $4  }
0x8: {  	v2 =	vimm.f32 $-Inf;
	v3 =	vimm.s32 $0x0;
	v4 =	vimm.f32 $-1.000000000e+00;
	s7 =	sadd.s32 $0x299600, s0;
	s6 =	sand.u32 $0x6, s4;
	s8 =	ssub.s32 $0x2, s1  }
0x9: {  	v5 =	vlaneseq.u32;
	v6 =	vimm.s32 $0x40000000;
	v8 =	vimm.f32 $2.000000000e+09;
	_ =	strace $0x80000047;
	s1 =	sor.u32 s1, s6;
	s9 =	sshrl.u32 s8, $0x1  }
0xa: {  	v9 =	vimm.f32 $1.000000000e+00;
	vm0 =	vmxor vm0, vm0;
	vm1 =	vmmov $0x1;
	s6 =	sadd.s32 $0x272400, s0;
	s10 =	sshll.u32 s1, $0xF;
	s31 =	ssub.s32 s8, s9  }
0xb: {  	v7 =	vmul.u32 $0x10, v5;
	v0 =	vmov s1;
	s8 =	sshll.u32 s1, $0x4;
	v1 =	vmov s10;
	s9 =	smax.u32 s31, $0x1;
	s10 =	simm.s32 $0x2  }
.LBB2_31:
0xc: {  	s16 =	sadd.s32 $0x1, s16  }
0xd: {  	p0 =	sne.s32 s16, s9  }
.Ltmp1:
0xe: {  	_ = 	snop;
	(pc) =	sbr.rel @!p0 .LBB2_32-.Ltmp1, $1  }
0xf: {  	_ =	sdelay $0x3  }
.LBB2_1:
.Ltmp2:
0x10: {  	(pc) =	sbr.rel .LBB2_2-.Ltmp2, $2  }
0x11: {  	_ =	sdelay $0x2  }
0x12: {  	p1 =	por $0x1, $0x1;
	s0 =	simm.s32 $0x0  }
.LBB2_30:
0x13: {  	s0 =	sshll.u32 s17, $0x7  }
0x14: {  	s0 =	sor.u32 s8, s0  }
0x15: {  	s1 =	sadd.s32 s2, s0  }
0x16: {  	[hbm4b:s1+s5] =	stream.linear.scatter [tilespmem:s14], [sflag:$0x2], $0x80, $0x38;
	[tilespmem:$0xA000] =	vst v63  }
0x17: {  	_ =	swait.ge [sflag:s10], $0x80  }
0x18: {  	[sflag:s10] =	ssyncset.done $0x0  }
.Ltmp3:
0x19: {  	s0 =	sadd.s32 s3, s0;
	[sflag:s10] =	ssyncadd.s32 $0xFFFFFF80;
	(pc) =	sbr.rel @!p0 .LBB2_31-.Ltmp3, $4  }
0x1a: {  	[hbm4b:s0+s5] =	stream.linear.scatter [tilespmem:s15], [sflag:$0x2], $0x80, $0x38;
	[tilespmem:$0xA000] =	vst v63  }
0x1b: {  	_ =	swait.ge [sflag:s10], $0x80  }
0x1c: {  	[sflag:s10] =	ssyncset.done $0x0  }
0x1d: {  	p1 =	por $0x0, $0x0;
	s0 =	simm.s32 $0x20;
	[sflag:s10] =	ssyncadd.s32 $0xFFFFFF80  }
.LBB2_2:
0x1e: {  	p0 =	por p1, p1;
	s1 =	simm.s32 $0x40;
	s17 =	simm.s32 $0x0  }
.LBB2_3:
0x1f: {  	p1 =	sne.s32 s1, $0x1000;
	[tilespmem:s17+$0x3E80] =	vst v2;
	s18 =	smov.u32 s1;
	s1 =	sadd.s32 $0x40, s1  }
.Ltmp4:
0x20: {  	[tilespmem:s17+$0x4290] =	vst v3;
	(pc) =	sbr.rel @p1 .LBB2_3-.Ltmp4, $2  }
0x21: {  	_ =	sdelay $0x2  }
0x22: {  	s17 =	sshra.s32 s18, $0x2  }
0x23: {  	[tilespmem:s17+$0x3E80] =	vst v2  }
0x24: {  	[tilespmem:s17+$0x4290] =	vst v3  }
0x25: {  	[tilespmem:$0x9F00] =	vst v4  }
0x26: {  	[tilespmem:$0x9F80] =	vst v6  }
0x27: {  	[tilespmem:$0x9F10] =	vst v4  }
0x28: {  	[tilespmem:$0x9F90] =	vst v6  }
0x29: {  	[tilespmem:$0x9F20] =	vst v4  }
0x2a: {  	[tilespmem:$0x9FA0] =	vst v6  }
0x2b: {  	[tilespmem:$0x9F30] =	vst v4  }
0x2c: {  	[tilespmem:$0x9FB0] =	vst v6  }
0x2d: {  	[tilespmem:$0x9F40] =	vst v4  }
0x2e: {  	[tilespmem:$0x9FC0] =	vst v6  }
0x2f: {  	[tilespmem:$0x9F50] =	vst v4  }
0x30: {  	[tilespmem:$0x9FD0] =	vst v6  }
0x31: {  	[tilespmem:$0x9F60] =	vst v4  }
0x32: {  	s0 =	sor.u32 s4, s0;
	[tilespmem:$0x9FE0] =	vst v6  }
0x33: {  	s20 =	simm.s32 $0x0;
	s17 =	sshrl.u32 s0, $0x3;
	[tilespmem:$0x9F70] =	vst v4  }
0x34: {  	s18 =	simm.s32 $0x0;
	s21 =	simm.s32 $0x0;
	[tilespmem:$0x9FF0] =	vst v6;
	s19 =	smul.u32 $0x27100, s17  }
.LBB2_5:
0x35: {  	s0 =	smul.u32 $0x3E80, s21;
	_ =	sdelay $0x1  }
0x36: {  	v12 =	vor.u32 s20, v5;
	s0 =	sadd.s32 s19, s0  }
0x37: {  	v10 =	vshll.u32 v12, $0x3;
	s0 =	sshrl.u32 s0, $0x3  }
0x38: {  	v10 =	vor.u32 v0, v10;
	s0 =	sadd.s32 s6, s0  }
0x39: {  	[tilespmem:s20], [sflag:$0x2] =	stream.linear.gather [hbm4b:s0+s20], $0x3E80, $0x38;
	[tilespmem:$0xA000] =	vst v63  }
0x3a: {  	_ =	swait.ge [sflag:s10], $0x3E80  }
0x3b: {  	[sflag:s10] =	ssyncset.done $0x0  }
0x3c: {  	[sflag:s10] =	ssyncadd.s32 $0xFFFFC180  }
0x3d: {  	v13 =	vld.idx.msk [tilespmem:v10+s5+$0x0], $0xffff;
	_ =	sdelay $0x4  }
0x3e: {  	vm2 =	vgt.f32 v13, $9.900000090e-01  }
0x3f: {  	[tilespmem:s18+$0x3E80] =	vst.msk vm2, v13;
	v13 =	vsel vm2, $0x1, v3  }
0x40: {  	(xrf0) =	vadd.scan.msk.s32 $0xffff, v13;
	_ =	sdelay $0x2  }
0x41: {  	s29 =	simm.s32 $0x10  }
0x42: {  	v11 =	vor.u32 s29, v5  }
0x43: {  	v10 =	vshll.u32 v11, $0x3  }
0x44: {  	s30 =	smul.u32 $0x7D0, s21;
	v14 =	vor.u32 v0, v10;
	v13, _, _ =	vpop (xrf0)  }
0x45: {  	(v2sf) =	vpush v13, $0xF  }
0x46: {  	v10 =	vmov s30  }
0x47: {  	v12 =	vadd.s32 v10, v12  }
0x48: {  	[tilespmem:s18+$0x4290] =	vst.msk vm2, v12  }
0x49: {  	v12 =	vld.idx.msk [tilespmem:v14+s5+$0x0], $0xffff;
	_ =	sdelay $0x4  }
0x4a: {  	vm2 =	vgt.f32 v12, $9.900000090e-01  }
0x4b: {  	v14 =	vsel vm2, $0x1, v3  }
0x4c: {  	(xrf0) =	vadd.scan.msk.s32 $0xffff, v14;
	_ =	sdelay $0x1  }
0x4d: {  	s31 =	simm.s32 $0x20  }
0x4e: {  	s0 =	simm.s32 $0x30;
	v13 =	vor.u32 s31, v5  }
.LBB2_6:
0x4f: {  	p1 =	sne.s32 s0, $0x7C0;
	v14 =	vshll.u32 v13, $0x3;
	s1 =	spop (v2sf)  }
0x50: {  	v14 =	vor.u32 v0, v14;
	s18 =	sadd.s32 s18, s1  }
0x51: {  	v15, _, _ =	vpop (xrf0);
	p2 =	slt.s32 s18, $0x400  }
0x52: {  	(v2sf) =	vpush v15, $0xF;
	s18 =	simm.s32 @!p2 $0x400  }
0x53: {  	v15 =	vadd.s32 v10, v11;
	v11 =	vmov v13;
	[tilespmem:s18+$0x3E80] =	vst.msk vm2, v12  }
0x54: {  	[tilespmem:s18+$0x4290] =	vst.msk vm2, v15  }
0x55: {  	v12 =	vld.idx.msk [tilespmem:v14+s5+$0x0], $0xffff;
	_ =	sdelay $0x5  }
0x56: {  	vm2 =	vgt.f32 v12, $9.900000090e-01  }
.Ltmp5:
0x57: {  	v13 =	vsel vm2, $0x1, v3;
	(pc) =	sbr.rel @p1 .LBB2_6-.Ltmp5, $2  }
0x58: {  	(xrf0) =	vadd.scan.msk.s32 $0xffff, v13;
	_ =	sdelay $0x2  }
0x59: {  	v13 =	vor.u32 s0, v5;
	s0 =	sadd.s32 $0x10, s0  }
0x5a: {  	v14 =	vshll.u32 v13, $0x3;
	s0 =	spop (v2sf)  }
0x5b: {  	v14 =	vor.u32 v0, v14;
	s0 =	sadd.s32 s18, s0  }
0x5c: {  	p1 =	slt.s32 s0, $0x400  }
0x5d: {  	s0 =	simm.s32 @!p1 $0x400  }
0x5e: {  	v11 =	vadd.s32 v10, v11;
	[tilespmem:s0+$0x3E80] =	vst.msk vm2, v12  }
0x5f: {  	[tilespmem:s0+$0x4290] =	vst.msk vm2, v11  }
0x60: {  	v11 =	vld.idx.msk [tilespmem:v14+s5+$0x0], $0xffff;
	_ =	sdelay $0x4  }
0x61: {  	vm2 =	vgt.f32 v11, $9.900000090e-01  }
0x62: {  	v61 =	vsel vm2, $0x1, v3  }
0x63: {  	(xrf0) =	vadd.scan.msk.s32 $0xffff, v61;
	_ =	sdelay $0x2  }
0x64: {  	v62, _, _ =	vpop (xrf0)  }
0x65: {  	(v2sf) =	vpush v62, $0xF;
	_ =	sdelay $0x1  }
0x66: {  	v63, _, _ =	vpop (xrf0)  }
0x67: {  	(v2sf) =	vpush v63, $0xF;
	_ =	sdelay $0xb  }
0x68: {  	s21 =	sadd.s32 $0x1, s21;
	s1 =	spop (v2sf)  }
0x69: {  	p2 =	sne.s32 s21, $0xA;
	s1 =	sadd.s32 s0, s1  }
.Ltmp6:
0x6a: {  	p1 =	slt.s32 s1, $0x400;
	(pc) =	sbr.rel @p2 .LBB2_5-.Ltmp6, $4  }
0x6b: {  	s1 =	simm.s32 @!p1 $0x400;
	s31 =	spop (v2sf)  }
0x6c: {  	s0 =	sadd.s32 s1, s31  }
0x6d: {  	v10 =	vadd.s32 v10, v13;
	[tilespmem:s1+$0x3E80] =	vst.msk vm2, v11;
	p1 =	slt.s32 s0, $0x400;
	s18 =	smov.u32 s0  }
0x6e: {  	[tilespmem:s1+$0x4290] =	vst.msk vm2, v10;
	s18 =	simm.s32 @!p1 $0x400  }
0x6f: {  	s1 =	sadd.s32 $0x7F, s18  }
0x70: {  	s19 =	sand.u32 $0x7F, s1  }
0x71: {  	p1 =	slt.s32 s0, $0xFFFFFF82;
	s20 =	sshra.s32 s1, $0x1F;
	p2 =	sne.s32 s19, $0x0  }
0x72: {  	s31 =	sshrl.u32 s20, $0x19;
	p1 =	por !p1, !p2  }
0x73: {  	s19 =	simm.s32 $0x1;
	s1 =	sadd.s32 s31, s1;
	p1 =	por !p1, !p1  }
0x74: {  	s1 =	sshra.s32 s1, $0x7;
	s19 =	simm.s32 @!p1 $0x0  }
0x75: {  	s21 =	ssub.s32 s1, s19  }
0x76: {  	p1 =	slt.s32 s21, $0x1  }
.Ltmp7:
0x77: {  	_ = 	snop;
	(pc) =	sbr.rel @p1 .LBB2_12-.Ltmp7, $1  }
0x78: {  	_ =	sdelay $0x3  }
0x79: {  	s1 =	smul.u32 $0x9C40, s17;
	p1 =	seq.s32 s21, $0x1  }
.Ltmp8:
0x7a: {  	_ = 	snop;
	(pc) =	sbr.rel @p1 .LBB2_11-.Ltmp8, $4  }
0x7b: {  	s19 =	simm.s32 $0x4290;
	s20 =	simm.s32 $0x46A0;
	s1 =	sadd.s32 s7, s1  }
0x7c: {  	[tilespmem:s20], [sflag:$0x1] =	stream.indirect.gather [hbm4b:s1+s12], $0x10, s19, s12, $0xb8;
	[tilespmem:$0xA000] =	vst v63  }
0x7d: {  	_ =	swait.ge [sflag:s11], $0x800  }
0x7e: {  	s21 =	sadd.s32 $0xFFFFFFFF, s21;
	[sflag:s11] =	ssyncset.done $0x0  }
.LBB2_10:
0x7f: {  	[sflag:s11] =	ssyncadd.s32 $0xFFFFF800  }
0x80: {  	s19 =	sadd.s32 $0x80, s19;
	s20 =	sadd.s32 $0x800, s20;
	p1 =	seq.s32 s21, $0x1  }
.Ltmp9:
0x81: {  	s21 =	sadd.s32 $0xFFFFFFFF, s21;
	(pc) =	sbr.rel @!p1 .LBB2_10-.Ltmp9, $4  }
0x82: {  	_ = 	snop  }
0x83: {  	[tilespmem:s20], [sflag:$0x1] =	stream.indirect.gather [hbm4b:s1+s12], $0x10, s19, s12, $0xb8;
	[tilespmem:$0xA000] =	vst v63  }
0x84: {  	_ =	swait.ge [sflag:s11], $0x800  }
0x85: {  	[sflag:s11] =	ssyncset.done $0x0  }
.LBB2_11:
0x86: {  	[sflag:s11] =	ssyncadd.s32 $0xFFFFF800  }
.LBB2_12:
0x87: {  	s1 =	sadd.s32 $0xF, s18  }
0x88: {  	s18 =	sand.u32 $0xF, s1  }
0x89: {  	p1 =	slt.s32 s0, $0xFFFFFFF2;
	s19 =	sshra.s32 s1, $0x1F;
	p2 =	sne.s32 s18, $0x0  }
0x8a: {  	s31 =	sshrl.u32 s19, $0x1C;
	p1 =	por !p1, !p2  }
0x8b: {  	s0 =	sadd.s32 s31, s1;
	s1 =	simm.s32 $0x1;
	p1 =	por !p1, !p1  }
0x8c: {  	s0 =	sshra.s32 s0, $0x4;
	s1 =	simm.s32 @!p1 $0x0  }
0x8d: {  	s18 =	ssub.s32 s0, s1  }
0x8e: {  	p1 =	sgt.s32 s18, $0x0  }
.Ltmp10:
0x8f: {  	_ = 	snop;
	(pc) =	sbr.rel @!p1 .LBB2_20-.Ltmp10, $1  }
0x90: {  	_ =	sdelay $0x3  }
0x91: {  	p2 =	sne.s32 s18, $0x1  }
.Ltmp11:
0x92: {  	s0 =	simm.s32 $0x0;
	(pc) =	sbr.rel @!p2 .LBB2_14-.Ltmp11, $4  }
0x93: {  	v10 =	vmov s0  }
0x94: {  	s21 =	simm.s32 $0x86A0;
	s20 =	simm.s32 $0x8AB0;
	s19 =	simm.s32 $0x8EC0;
	v10 =	vshll.u32 v10, $0x4  }
0x95: {  	s25 =	simm.s32 $0x92D0;
	s24 =	simm.s32 $0x96E0;
	s23 =	simm.s32 $0x3E80;
	v10 =	vor.u32 v7, v10  }
0x96: {  	s22 =	simm.s32 $0x9AF0;
	p1 =	por $0x0, $0x0;
	s0 =	sadd.s32 $0xFFFFFFFF, s18;
	v12 =	vor.u32 $0x1, v10;
	v11 =	vor.u32 $0x2, v10;
	v13 =	vor.u32 $0x3, v10  }
0x97: {  	_ =	sdelay $0x3  }
0x98: {  	v10 =	vld.idx.msk [tilespmem:v10+s13+$0x0], $0xffff  }
0x99: {  	v13 =	vld.idx.msk [tilespmem:v13+s13+$0x0], $0xffff  }
0x9a: {  	v12 =	vld.idx.msk [tilespmem:v12+s13+$0x0], $0xffff  }
0x9b: {  	v11 =	vld.idx.msk [tilespmem:v11+s13+$0x0], $0xffff;
	_ =	sdelay $0x4  }
0x9c: {  	[tilespmem:s21+$0x0] =	vst v10;
	v14 =	vsub.f32 v13, v12;
	v10 =	vsub.f32 v11, v10  }
0x9d: {  	[tilespmem:s20+$0x0] =	vst v12  }
0x9e: {  	[tilespmem:s19+$0x0] =	vst v11;
	v10 =	vmul.f32 v14, v10  }
0x9f: {  	[tilespmem:s25+$0x0] =	vst v13  }
0xa0: {  	p2 =	sne.s32 s0, $0x1;
	[tilespmem:s24+$0x0] =	vst v10  }
.Ltmp12:
0xa1: {  	s28 =	simm.s32 $0x10;
	v14 =	vld [tilespmem:s23+$0x0];
	(pc) =	sbr.rel @!p2 .LBB2_16-.Ltmp12, $4  }
0xa2: {  	v10 =	vmov s28  }
0xa3: {  	s29 =	sadd.s32 $0xFFFFFFFF, s0;
	s30 =	simm.s32 $0x9B00;
	p1 =	por $0x1, $0x1;
	v10 =	vshll.u32 v10, $0x4  }
0xa4: {  	s0 =	simm.s32 $0x86A0;
	s1 =	simm.s32 $0x8AB0;
	s26 =	simm.s32 $0x8EC0;
	v10 =	vor.u32 v7, v10  }
0xa5: {  	s25 =	simm.s32 $0x92E0;
	s24 =	simm.s32 $0x96F0;
	s23 =	simm.s32 $0x3E90;
	v12 =	vor.u32 $0x1, v10;
	v11 =	vor.u32 $0x2, v10;
	v13 =	vor.u32 $0x3, v10  }
.LBB2_17:
0xa6: {  	vm2 =	vgt.f32 v14, $9.900000090e-01;
	s0 =	sadd.s32 $0x10, s0;
	s1 =	sadd.s32 $0x10, s1;
	s26 =	sadd.s32 $0x10, s26  }
0xa7: {  	p2 =	sne.s32 s29, $0x1;
	s29 =	sadd.s32 $0xFFFFFFFF, s29;
	v14 =	vsel vm2, $0x1, v3  }
0xa8: {  	[tilespmem:s22+$0x0] =	vst v14;
	s22 =	smov.u32 s30  }
0xa9: {  	v10 =	vld.idx.msk [tilespmem:v10+s13+$0x0], $0xffff  }
0xaa: {  	v13 =	vld.idx.msk [tilespmem:v13+s13+$0x0], $0xffff  }
0xab: {  	v12 =	vld.idx.msk [tilespmem:v12+s13+$0x0], $0xffff  }
0xac: {  	v11 =	vld.idx.msk [tilespmem:v11+s13+$0x0], $0xffff;
	_ =	sdelay $0x3  }
0xad: {  	[tilespmem:s0+$0x0] =	vst v10  }
0xae: {  	[tilespmem:s1+$0x0] =	vst v12;
	v12 =	vsub.f32 v13, v12  }
0xaf: {  	v10 =	vsub.f32 v11, v10;
	[tilespmem:s26+$0x0] =	vst v11  }
0xb0: {  	[tilespmem:s25+$0x0] =	vst v13  }
0xb1: {  	v10 =	vmul.f32 v12, v10;
	_ =	sdelay $0x1  }
0xb2: {  	[tilespmem:s24+$0x0] =	vst v10  }
.Ltmp13:
0xb3: {  	s28 =	sadd.s32 $0x10, s28;
	v14 =	vld [tilespmem:s23+$0x0];
	(pc) =	sbr.rel @p2 .LBB2_17-.Ltmp13, $4  }
0xb4: {  	v10 =	vmov s28  }
0xb5: {  	v10 =	vshll.u32 v10, $0x4  }
0xb6: {  	s30 =	sadd.s32 $0x10, s30;
	v10 =	vor.u32 v7, v10  }
0xb7: {  	s25 =	sadd.s32 $0x10, s25;
	s24 =	sadd.s32 $0x10, s24;
	s23 =	sadd.s32 $0x10, s23;
	v12 =	vor.u32 $0x1, v10;
	v11 =	vor.u32 $0x2, v10;
	v13 =	vor.u32 $0x3, v10  }
0xb8: {  	s28 =	smov.u32 s22;
	s22 =	smov.u32 s30  }
.LBB2_19:
0xb9: {  	_ = 	snop  }
0xba: {  	vm2 =	vgt.f32 @p1 v14, $9.900000090e-01  }
0xbb: {  	v14 =	vsel @p1 vm2, $0x1, v3  }
0xbc: {  	[tilespmem:s28+$0x0] =	vst @p1 v14  }
0xbd: {  	v10 =	vld.idx.msk [tilespmem:v10+s13+$0x0], $0xffff  }
0xbe: {  	v13 =	vld.idx.msk [tilespmem:v13+s13+$0x0], $0xffff  }
0xbf: {  	v12 =	vld.idx.msk [tilespmem:v12+s13+$0x0], $0xffff  }
0xc0: {  	v11 =	vld.idx.msk [tilespmem:v11+s13+$0x0], $0xffff;
	_ =	sdelay $0x2  }
0xc1: {  	s0 =	sadd.s32 @p1 $0x10, s0  }
0xc2: {  	s1 =	sadd.s32 @p1 $0x10, s1;
	s21 =	smov.u32 @p1 s0  }
0xc3: {  	s0 =	sadd.s32 @p1 $0x10, s26;
	s20 =	smov.u32 @p1 s1;
	[tilespmem:s21+$0x0] =	vst v10;
	v63 =	vsub.f32 v13, v12;
	v10 =	vsub.f32 v11, v10  }
0xc4: {  	s19 =	smov.u32 @p1 s0;
	[tilespmem:s20+$0x0] =	vst v12  }
0xc5: {  	[tilespmem:s19+$0x0] =	vst v11;
	v10 =	vmul.f32 v63, v10  }
0xc6: {  	[tilespmem:s25+$0x0] =	vst v13  }
0xc7: {  	[tilespmem:s24+$0x0] =	vst v10  }
0xc8: {  	v10 =	vld [tilespmem:s23+$0x0];
	_ =	sdelay $0x4  }
0xc9: {  	vm2 =	vgt.f32 v10, $9.900000090e-01  }
0xca: {  	v10 =	vsel vm2, $0x1, v3  }
0xcb: {  	[tilespmem:s22+$0x0] =	vst v10  }
.LBB2_20:
.Ltmp14:
0xcc: {  	[tilespmem:$0x8AA0] =	vst v8;
	(pc) =	sbr.rel .LBB2_21-.Ltmp14, $4  }
0xcd: {  	[tilespmem:$0x8EB0] =	vst v8  }
0xce: {  	[tilespmem:$0x92C0] =	vst v8  }
0xcf: {  	[tilespmem:$0x96D0] =	vst v8;
	s0 =	simm.s32 $0x400  }
0xd0: {  	[tilespmem:$0x9AE0] =	vst v9;
	s1 =	simm.f32 $1.000000000e+00;
	s19 =	simm.s32 $0x0;
	p1 =	slt.s32 s18, $0x1  }
.LBB2_22:
0xd1: {  	v10 =	vimm.s32 $0xC0000000;
	v11 =	vimm.f32 $-Inf  }
.LBB2_29:
0xd2: {  	(xrf0) =	vmax.scan.msk.f32 $0xffff, v11;
	_ =	sdelay $0x5  }
0xd3: {  	v12, _, _ =	vpop (xrf0)  }
0xd4: {  	v13 =	vbroadcast v12, $0xF;
	_ =	sdelay $0x1  }
0xd5: {  	vm2 =	veq.f32 v11, v13  }
0xd6: {  	v10 =	vnsel vm2, $0xC0000000, v10  }
0xd7: {  	(xrf0) =	vmin.scan.msk.u32 $0xffff, v10;
	_ =	sdelay $0x3  }
0xd8: {  	(v2sf) =	vpush v12, $0xF;
	_ =	sdelay $0x1  }
0xd9: {  	v10, _, _ =	vpop (xrf0)  }
0xda: {  	(v2sf) =	vpush v10, $0xF;
	_ =	sdelay $0xb  }
0xdb: {  	s1 =	spop (v2sf)  }
0xdc: {  	p3 =	sgt.f32 s1, $0.0e+00  }
.Ltmp15:
0xdd: {  	_ = 	snop;
	(pc) =	sbr.rel @!p3 .LBB2_30-.Ltmp15, $4  }
0xde: {  	s0 =	spop (v2sf)  }
0xdf: {  	s20 =	simm.s32 $0x1;
	s0 =	sxor.u32 $0x80000000, s0  }
0xe0: {  	s20 =	simm.s32 @!p2 $0x0;
	p2 =	slt.s32 s0, $0x400  }
0xe1: {  	s19 =	sadd.s32 s20, s19;
	s0 =	simm.s32 @!p2 $0x400  }
.LBB2_21:
0xe2: {  	p2 =	slt.s32 s0, $0x400  }
0xe3: {  	p3 =	slt.s32 s19, $0x80;
	p4 =	sgt.s32 s19, $0x0;
	s20 =	smov.u32 s19  }
0xe4: {  	s20 =	simm.s32 @!p4 $0x0;
	p3 =	por !p2, !p3  }
0xe5: {  	vm2 =	vmmov vm0;
	p3 =	por !p3, !p3;
	s20 =	smin.u32 s20, $0x7F  }
0xe6: {  	v11 =	vld [tilespmem:s0+$0x4290];
	vm2 =	vmneg @p3 vm2;
	v10 =	vmov s20  }
0xe7: {  	vm2 =	vmand vm2, vm1;
	v15 =	vbroadcast v10, $0x0;
	_ =	sdelay $0x1  }
0xe8: {  	v13 =	vld [tilespmem:s0+$0x86A0]  }
.Ltmp16:
0xe9: {  	v12 =	vld [tilespmem:s0+$0x8AB0];
	(pc) =	sbr.rel @p1 .LBB2_22-.Ltmp16, $4  }
0xea: {  	v14 =	vld [tilespmem:s0+$0x8EC0];
	v16 =	vadd.s32 v1, v11  }
0xeb: {  	v17 =	vmov s1;
	v10 =	vld [tilespmem:s0+$0x92D0];
	v16 =	vbroadcast v16, $0x0  }
0xec: {  	v11 =	vld [tilespmem:s0+$0x96E0];
	[tilespmem:v15+s14+$0x0] =	vst.idx.msk vm2, v17  }
0xed: {  	[tilespmem:v15+s15+$0x0] =	vst.idx.msk vm2, v16  }
0xee: {  	p4 =	sne.s32 s18, $0x1  }
.Ltmp17:
0xef: {  	s1 =	simm.s32 $0x86A0;
	(pc) =	sbr.rel @!p4 .LBB2_24-.Ltmp17, $4  }
0xf0: {  	s21 =	simm.s32 $0x8EC0;
	v21 =	vld [tilespmem:s1+$0x0]  }
0xf1: {  	v13 =	vbroadcast v13, $0x0;
	v15 =	vbroadcast v12, $0x0;
	s20 =	simm.s32 $0x9AF0;
	s31 =	simm.s32 $0x8AB0;
	v22 =	vld [tilespmem:s21+$0x0]  }
0xf2: {  	s24 =	simm.s32 $0x92D0;
	s23 =	simm.s32 $0x96E0;
	v12 =	vmov s0;
	s22 =	simm.s32 $0x0;
	v16 =	vbroadcast v14, $0x0;
	v23 =	vld [tilespmem:s31+$0x0];
	v17 =	vbroadcast v10, $0x0  }
0xf3: {  	p3 =	por $0x0, $0x0;
	s21 =	simm.s32 $0x3E80;
	v24 =	vld [tilespmem:s24+$0x0];
	s1 =	sadd.s32 $0xFFFFFFFF, s18;
	v10 =	vimm.s32 $0x40000000;
	v14 =	vbroadcast v11, $0x0;
	v11 =	vimm.f32 $-Inf  }
0xf4: {  	_ =	sdelay $0x2  }
0xf5: {  	v19 =	vld [tilespmem:s23+$0x0];
	v18 =	vmax.f32 v13, v21  }
0xf6: {  	v21 =	vmin.f32 v16, v22;
	v20 =	vmax.f32 v15, v23;
	v22 =	vmin.f32 v17, v24  }
0xf7: {  	v18 =	vsub.f32 v21, v18;
	v20 =	vsub.f32 v22, v20;
	_ =	sdelay $0x1  }
0xf8: {  	v18 =	vmax.f32 v18, $0.0e+00;
	v20 =	vmax.f32 v20, $0.0e+00  }
0xf9: {  	v19 =	vadd.f32 v19, v14;
	v18 =	vmul.f32 v20, v18;
	_ =	sdelay $0x1  }
0xfa: {  	v19 =	vsub.f32 v19, v18;
	_ =	sdelay $0x1  }
0xfb: {  	v19 =	vmax.f32 v19, $9.999999930e-09  }
0xfc: {  	(erf) = vrcp.f32 v19;
	_ =	sdelay $0x6  }
0xfd: {  	v19 =	vld [tilespmem:s20+$0x0];
	_ =	sdelay $0x1  }
0xfe: {  	v20 =	vpop (erf)  }
0xff: {  	v20 =	vmul.f32 v20, v18  }
0x100: {  	v18 =	vor.u32 s22, v5  }
0x101: {  	vm2 =	vne.s32 v19, $0x0;
	vm4 =	vne.s32 v18, v12;
	vm3 =	vgt.f32 v20, $5.000000000e-01  }
0x102: {  	vm2 =	vmand vm4, vm2;
	vm3 =	vmneg vm3  }
0x103: {  	vm2 =	vmand vm2, vm3  }
0x104: {  	p4 =	sne.s32 s1, $0x1;
	v19 =	vsel vm2, $0x1, v3  }
.Ltmp18:
0x105: {  	s29 =	simm.s32 $0x86B0;
	[tilespmem:s20+$0x0] =	vst v19;
	(pc) =	sbr.rel @!p4 .LBB2_26-.Ltmp18, $4  }
0x106: {  	s30 =	simm.s32 $0x8ED0;
	v21 =	vld [tilespmem:s29+$0x0]  }
0x107: {  	s31 =	simm.s32 $0x8AC0;
	s0 =	simm.s32 $0x92E0;
	v22 =	vld [tilespmem:s30+$0x0]  }
0x108: {  	s1 =	sadd.s32 $0xFFFFFFFF, s1;
	p3 =	por $0x1, $0x1;
	s24 =	simm.s32 $0x3E80;
	v23 =	vld [tilespmem:s31+$0x0]  }
0x109: {  	s28 =	simm.s32 $0x96E0;
	s26 =	simm.s32 $0x9AF0;
	s25 =	simm.s32 $0x0;
	v20 =	vimm.s32 $0x40000000;
	v19 =	vimm.f32 $-Inf;
	v24 =	vld [tilespmem:s0+$0x0]  }
.LBB2_27:
0x10a: {  	p4 =	sne.s32 s1, $0x1;
	v25 =	vld [tilespmem:s24+$0x0];
	_ =	sdelay $0x1  }
0x10b: {  	s28 =	sadd.s32 $0x10, s28  }
0x10c: {  	v21 =	vmax.f32 v13, v21;
	v26 =	vld [tilespmem:s28+$0x0]  }
0x10d: {  	v22 =	vmin.f32 v16, v22;
	v23 =	vmax.f32 v15, v23;
	v24 =	vmin.f32 v17, v24  }
0x10e: {  	v21 =	vsub.f32 v22, v21;
	v22 =	vsub.f32 v24, v23;
	v23 =	vnsel vm2, $0xFF800000, v25  }
0x10f: {  	vm2 =	vgt.f32 v23, v19  }
0x110: {  	v21 =	vmax.f32 v21, $0.0e+00;
	v22 =	vmax.f32 v22, $0.0e+00;
	v19 =	vsel vm2, v23, v19  }
0x111: {  	v20 =	vsel vm2, v18, v20;
	v21 =	vmul.f32 v22, v21;
	v22 =	vadd.f32 v26, v14;
	_ =	sdelay $0x1  }
0x112: {  	v18 =	vsub.f32 v22, v21;
	_ =	sdelay $0x1  }
0x113: {  	v18 =	vmax.f32 v18, $9.999999930e-09  }
0x114: {  	(erf) = vrcp.f32 v18;
	_ =	sdelay $0x5  }
0x115: {  	s26 =	sadd.s32 $0x10, s26  }
0x116: {  	v22 =	vld [tilespmem:s26+$0x0];
	_ =	sdelay $0x1  }
0x117: {  	v18 =	vpop (erf)  }
0x118: {  	s25 =	sadd.s32 $0x10, s25;
	v21 =	vmul.f32 v18, v21  }
0x119: {  	v18 =	vor.u32 s25, v5  }
0x11a: {  	vm4 =	vne.s32 v18, v12;
	vm2 =	vne.s32 v22, $0x0;
	vm3 =	vgt.f32 v21, $5.000000000e-01  }
0x11b: {  	vm3 =	vmneg vm3;
	vm2 =	vmand vm4, vm2  }
0x11c: {  	vm2 =	vmand vm2, vm3  }
0x11d: {  	v21 =	vsel vm2, $0x1, v3  }
.Ltmp19:
0x11e: {  	s29 =	sadd.s32 $0x10, s29;
	[tilespmem:s26+$0x0] =	vst v21;
	(pc) =	sbr.rel @p4 .LBB2_27-.Ltmp19, $4  }
0x11f: {  	s30 =	sadd.s32 $0x10, s30;
	v21 =	vld [tilespmem:s29+$0x0]  }
0x120: {  	s31 =	sadd.s32 $0x10, s31;
	v22 =	vld [tilespmem:s30+$0x0]  }
0x121: {  	s0 =	sadd.s32 $0x10, s0;
	v23 =	vld [tilespmem:s31+$0x0]  }
0x122: {  	s1 =	sadd.s32 $0xFFFFFFFF, s1;
	s24 =	sadd.s32 $0x10, s24;
	v24 =	vld [tilespmem:s0+$0x0]  }
.LBB2_28:
0x123: {  	_ = 	snop  }
0x124: {  	s0 =	sadd.s32 @p3 $0x10, s28  }
0x125: {  	s23 =	smov.u32 @p3 s0  }
0x126: {  	v13 =	vmax.f32 v13, v21;
	v58 =	vld [tilespmem:s23+$0x0]  }
0x127: {  	v16 =	vmin.f32 v16, v22;
	v15 =	vmax.f32 v15, v23;
	v17 =	vmin.f32 v17, v24  }
0x128: {  	v13 =	vsub.f32 v16, v13;
	v15 =	vsub.f32 v17, v15;
	_ =	sdelay $0x1  }
0x129: {  	v13 =	vmax.f32 v13, $0.0e+00;
	v15 =	vmax.f32 v15, $0.0e+00  }
0x12a: {  	v14 =	vadd.f32 v58, v14;
	v13 =	vmul.f32 v15, v13;
	_ =	sdelay $0x1  }
0x12b: {  	v14 =	vsub.f32 v14, v13;
	_ =	sdelay $0x1  }
0x12c: {  	v14 =	vmax.f32 v14, $9.999999930e-09  }
0x12d: {  	(erf) = vrcp.f32 v14;
	_ =	sdelay $0x4  }
0x12e: {  	s0 =	sadd.s32 @p3 $0x10, s26  }
0x12f: {  	s20 =	smov.u32 @p3 s0  }
0x130: {  	v59 =	vld [tilespmem:s20+$0x0];
	_ =	sdelay $0x1  }
0x131: {  	s0 =	sadd.s32 @p3 $0x10, s25;
	v60 =	vpop (erf)  }
0x132: {  	s22 =	smov.u32 @p3 s0;
	v13 =	vmul.f32 v60, v13  }
0x133: {  	v61 =	vor.u32 s22, v5  }
0x134: {  	vm5 =	vne.s32 v61, v12;
	vm3 =	vne.s32 v59, $0x0;
	vm4 =	vgt.f32 v13, $5.000000000e-01  }
0x135: {  	vm3 =	vmand vm5, vm3;
	vm4 =	vmneg vm4  }
0x136: {  	v12 =	vld @p3 [tilespmem:s24+$0x0];
	vm3 =	vmand vm3, vm4  }
0x137: {  	s0 =	sadd.s32 @p3 $0x10, s24;
	v62 =	vsel vm3, $0x1, v3  }
0x138: {  	s21 =	smov.u32 @p3 s0;
	[tilespmem:s20+$0x0] =	vst v62  }
0x139: {  	v13 =	vld [tilespmem:s21+$0x0];
	_ =	sdelay $0x1  }
0x13a: {  	v12 =	vnsel @p3 vm2, $0xFF800000, v12  }
0x13b: {  	vm2 =	vgt.f32 @p3 v12, v19  }
.Ltmp20:
0x13c: {  	v12 =	vsel @p3 vm2, v12, v19;
	(pc) =	sbr.rel .LBB2_29-.Ltmp20, $4  }
0x13d: {  	v14 =	vsel @p3 vm2, v18, v20;
	v11 =	vpsel p3, v12, v11;
	v63 =	vnsel vm3, $0xFF800000, v13  }
0x13e: {  	v10 =	vpsel p3, v14, v10;
	vm2 =	vgt.f32 v63, v11  }
0x13f: {  	v10 =	vsel vm2, v61, v10  }
0x140: {  	v11 =	vsel vm2, v63, v11;
	v10 =	vxor.u32 $0x80000000, v10  }
.LBB2_24:
.Ltmp21:
0x141: {  	(pc) =	sbr.rel .LBB2_28-.Ltmp21, $3  }
0x142: {  	_ =	sdelay $0x1  }
0x143: {  	s24 =	simm.s32 $0x3E80  }
0x144: {  	s28 =	simm.s32 $0x96E0;
	v19 =	vimm.f32 $-Inf;
	v20 =	vimm.s32 $0x40000000;
	s26 =	simm.s32 $0x9AF0;
	s25 =	simm.s32 $0x0  }
.LBB2_26:
.Ltmp22:
0x145: {  	(pc) =	sbr.rel .LBB2_28-.Ltmp22, $3  }
0x146: {  	_ =	sdelay $0x1  }
0x147: {  	s24 =	simm.s32 $0x3E80  }
0x148: {  	s28 =	simm.s32 $0x96E0;
	v19 =	vimm.f32 $-Inf;
	v20 =	vimm.s32 $0x40000000;
	s26 =	simm.s32 $0x9AF0;
	s25 =	simm.s32 $0x0  }
.LBB2_14:
.Ltmp23:
0x149: {  	(pc) =	sbr.rel .LBB2_19-.Ltmp23, $2  }
0x14a: {  	_ =	sdelay $0x2  }
0x14b: {  	s0 =	simm.s32 $0x86A0;
	s1 =	simm.s32 $0x8AB0;
	s26 =	simm.s32 $0x8EC0  }
.LBB2_16:
.Ltmp24:
0x14c: {  	(pc) =	sbr.rel .LBB2_19-.Ltmp24, $3  }
0x14d: {  	_ =	sdelay $0x1  }
0x14e: {  	s0 =	simm.s32 $0x86A0;
	s1 =	simm.s32 $0x8AB0  }
0x14f: {  	s26 =	simm.s32 $0x8EC0;
	s28 =	simm.s32 $0x9AF0;
	s22 =	simm.s32 $0x9B00  }
.LBB2_32:
0x150: {  	_ =	sfence.sel $0x180000  }
0x151: {  	[bflag:$0x0] =	sbarrier.arrive $0xFFFF  }
0x152: {  	_ =	strace $0x90000047  }
0x153: {  	s0 =	stileid.u32;
	[bflag:$0x2] =	sbarrier.arrive $0xFFFF  }
0x154: {  	p0 =	sne.s32 s0, $0x0;
	s0 =	rddreg [dreg:$0x3]  }
0x155: {  	s0 =	sadd.s32 @!p0 $0x100000, s0  }
0x156: {  	[sflag:s0] =	ssyncadd.tile.s32 @!p0 $0x1;
	_ =	shalt  }
.Lfunc_end2:
_tile_overlayer_lowered:
.L_overlay_start_2:
0x157: {  	(tag) =	ssettag $0x2  }
0x158: {  	s0 =	rddreg [dreg:$0x0];
	s2 =	stileid.u32  }
0x159: {  	s1 =	rddreg [dreg:$0x1];
	p0 =	sne.s32 s2, $0x0  }
0x15a: {  	s3 =	rddreg [dreg:$0x2];
	[bflag:$0x3] =	sbarrier.arrive $0xFFFF;
	s2 =	simm.s32 @!p0 $0x1C02  }
0x15b: {  	[timem:s3], [sflag:s2] =	dma.local @!p0 [hbm:s0], s1  }
0x15c: {  	s0 =	simm.s32 @!p0 $0x2  }
0x15d: {  	_ =	swait.ge @!p0 [sflag:s0], s1  }
0x15e: {  	s1 =	ssub.s32 @!p0 $0x0, s1;
	[sflag:s0] =	ssyncset.done @!p0 $0x0  }
0x15f: {  	[sflag:s0] =	ssyncadd.s32 @!p0 s1  }
0x160: {  	[bflag:$0x3] =	sbarrier.arrive $0xFFFF  }
0x161: {  	_ =	shalt  }

</sc_bundles>
